<compile_context>
chip_gen: v7x
topology: tpu7x:2x2x1
jax: 0.10.2.dev20260603
libtpu: 0.0.44.dev20260713+nightly
codegen_flags: <defaults>
</compile_context>

<pallas_src>
import functools

import jax
import jax.numpy as jnp
from jax import lax
from jax.experimental import pallas as pl
from jax.experimental.pallas import tpu as pltpu
from jax.experimental.pallas import tpu_sc as plsc

Z_, N_, K_, DE, DV = 2, 2048, 32, 128, 128
ZN = Z_ * N_
B_ = ZN * K_
TROWS = 2 * ZN

BN = 256
BE = BN * K_


def _gelu(x):
    return x * 0.5 * (1.0 + lax.erf(x * 0.7071067811865475))


def _ln(x, g, b):
    m = jnp.mean(x, axis=-1, keepdims=True)
    xc = x - m
    v = jnp.mean(xc * xc, axis=-1, keepdims=True)
    return xc * jax.lax.rsqrt(v + 1e-5) * g + b



def _tables_body(vn_ref, vo_ref, s_ref, k_ref, ar_ref, w0_ref,
                 t_ref, ai_ref, gidx_ref):
    w_vi = w0_ref[0:DV, :]
    w_vj = w0_ref[DV:2 * DV, :]
    w_es = w0_ref[3 * DV:4 * DV, :]
    for z in range(Z_):
        vn = vn_ref[z]
        vo = vo_ref[z]
        s = s_ref[z]
        t_ref[pl.ds(z * N_, N_), :] = jnp.dot(
            vo, w_vj, preferred_element_type=jnp.float32)
        t_ref[pl.ds(ZN + z * N_, N_), :] = (
            jnp.dot(vn, w_vj, preferred_element_type=jnp.float32)
            + jnp.dot(s, w_es, preferred_element_type=jnp.float32))
        ai_ref[pl.ds(z * N_, N_), :] = jnp.dot(
            vn, w_vi, preferred_element_type=jnp.float32)
        gidx_ref[z] = k_ref[z] + z * N_ + ar_ref[z] * ZN


def _stage_a(V_new, V_old, S, Ki, ari, W0):
    return pl.pallas_call(
        _tables_body,
        out_shape=[
            jax.ShapeDtypeStruct((TROWS, DV), jnp.float32),
            jax.ShapeDtypeStruct((ZN, DV), jnp.float32),
            jax.ShapeDtypeStruct((Z_, N_, K_), jnp.int32),
        ],
    )(V_new, V_old, S, Ki, ari, W0)



_CH = 128


def _sc_gather(table, gidx2d, nrows):
    info = plsc.get_sparse_core_info()
    nc, ns = info.num_cores, info.num_subcores
    nw = nc * ns
    rows_per_w = nrows // nw
    nch = rows_per_w // _CH
    mesh = plsc.VectorSubcoreMesh(core_axis_name="c", subcore_axis_name="s")

    @functools.partial(
        pl.kernel, mesh=mesh,
        out_type=jax.ShapeDtypeStruct((nrows, DV), jnp.float32),
        scratch_types=[
            pltpu.VMEM((nch, _CH), jnp.int32),
            pltpu.VMEM((2, _CH, DV), jnp.float32),
            pltpu.VMEM_SHARED((TROWS, DV), jnp.float32),
            pltpu.SemaphoreType.DMA,
            pltpu.SemaphoreType.DMA,
        ],
    )
    def k(table_hbm, idx_hbm, out_hbm, idx_v, rows_v, table_sh, gsem, osem):
        sid = lax.axis_index("s")
        wid = sid * nc + lax.axis_index("c")
        base = wid * rows_per_w
        @pl.when(sid == 0)
        def _():
            pltpu.sync_copy(table_hbm, table_sh)
        plsc.subcore_barrier()
        pltpu.sync_copy(idx_hbm.at[pl.ds(wid * nch, nch)], idx_v)
        pltpu.async_copy(table_sh.at[idx_v.at[0]], rows_v.at[0], gsem)

        def body(c, carry):
            b = lax.rem(c, 2)
            pltpu.make_async_copy(
                table_sh.at[idx_v.at[c]], rows_v.at[b], gsem).wait()

            @pl.when(c + 1 < nch)
            def _():
                @pl.when(c >= 1)
                def _():
                    pltpu.make_async_copy(
                        rows_v.at[1 - b],
                        out_hbm.at[pl.ds(base + (c - 1) * _CH, _CH)],
                        osem).wait()
                pltpu.async_copy(
                    table_sh.at[idx_v.at[c + 1]], rows_v.at[1 - b], gsem)

            pltpu.async_copy(
                rows_v.at[b], out_hbm.at[pl.ds(base + c * _CH, _CH)], osem)
            return carry

        lax.fori_loop(0, nch, body, 0)
        pltpu.make_async_copy(
            rows_v.at[0], out_hbm.at[pl.ds(base, _CH)], osem).wait()
        pltpu.make_async_copy(
            rows_v.at[0], out_hbm.at[pl.ds(base, _CH)], osem).wait()

    return k(table, gidx2d)



def _main_body(e_ref, g_ref, ai_ref, vn_ref, em_ref, w0e_ref, b0_ref,
               w1_ref, b1_ref, w2_ref, b2_ref, f0_ref, fb0_ref, f1_ref,
               fb1_ref, g1_ref, be1_ref, g2_ref, be2_ref, out_ref):
    f32 = jnp.float32
    h = jnp.dot(e_ref[...], w0e_ref[...], preferred_element_type=f32)
    h = h + g_ref[...]
    ai = ai_ref[...]
    h = h + jnp.reshape(
        jnp.broadcast_to(ai[:, None, :], (BN, K_, DV)), (BE, DV))
    h = _gelu(h + b0_ref[0])
    h = _gelu(jnp.dot(h, w1_ref[...], preferred_element_type=f32) + b1_ref[0])
    m = jnp.dot(h, w2_ref[...], preferred_element_type=f32) + b2_ref[0]
    em3 = jnp.broadcast_to(em_ref[...][:, :, None], (BN, K_, DV))
    msum = jnp.sum(jnp.reshape(m, (BN, K_, DV)) * em3, axis=1)
    v1 = _ln(vn_ref[...] + msum, g1_ref[0], be1_ref[0])
    ff = jnp.dot(
        _gelu(jnp.dot(v1, f0_ref[...], preferred_element_type=f32)
              + fb0_ref[0]),
        f1_ref[...], preferred_element_type=f32) + fb1_ref[0]
    out_ref[...] = _ln(v1 + ff, g2_ref[0], be2_ref[0])


def _stage_c(E_flat, G, Ai, vn_flat, em_flat, w0e, b0, W1, b1, W2, b2,
             F0, fb0, F1, fb1, g1, be1, g2, be2):
    nn = Ai.shape[0]
    full = lambda shape: pl.BlockSpec(shape, lambda i: (0, 0))
    return pl.pallas_call(
        _main_body,
        grid=(nn // BN,),
        in_specs=[
            pl.BlockSpec((BE, DE), lambda i: (i, 0)),
            pl.BlockSpec((BE, DV), lambda i: (i, 0)),
            pl.BlockSpec((BN, DV), lambda i: (i, 0)),
            pl.BlockSpec((BN, DV), lambda i: (i, 0)),
            pl.BlockSpec((BN, K_), lambda i: (i, 0)),
            full((DV, DV)), full((1, DV)),
            full((DV, DV)), full((1, DV)),
            full((DV, DV)), full((1, DV)),
            full((DV, 4 * DV)), full((1, 4 * DV)),
            full((4 * DV, DV)), full((1, DV)),
            full((1, DV)), full((1, DV)),
            full((1, DV)), full((1, DV)),
        ],
        out_specs=pl.BlockSpec((BN, DV), lambda i: (i, 0)),
        out_shape=jax.ShapeDtypeStruct((nn, DV), jnp.float32),
    )(E_flat, G, Ai, vn_flat, em_flat, w0e, b0, W1, b1, W2, b2,
      F0, fb0, F1, fb1, g1, be1, g2, be2)


def kernel(V_new, V_old, E, K, S, edge_mask, autoregressive_mask,
           W0, b0, W1, b1, W2, b2, F0, fb0, F1, fb1, g1, be1, g2, be2):
    Ki = K.astype(jnp.int32)
    ari = autoregressive_mask.astype(jnp.int32)

    T, Ai, gidx = _stage_a(V_new, V_old, S, Ki, ari, W0)

    G = _sc_gather(T, gidx.reshape(B_ // _CH, _CH), B_)

    out = _stage_c(
        E.reshape(B_, DE), G, Ai, V_new.reshape(ZN, DV),
        edge_mask.reshape(ZN, K_), W0[2 * DV:3 * DV],
        b0.reshape(1, DV), W1, b1.reshape(1, DV), W2, b2.reshape(1, DV),
        F0, fb0.reshape(1, 4 * DV), F1, fb1.reshape(1, DV),
        g1.reshape(1, DV), be1.reshape(1, DV),
        g2.reshape(1, DV), be2.reshape(1, DV))
    return out.reshape(Z_, N_, DV)

# --- scband reference (transcript-rebuilt; emitter-appended) ---
"""Pipeline reference for scband-gnndecoder-62569083568895 (READ-ONLY COPY).

The authoritative reference and input builder live on the scoring server;
editing this copy changes nothing except your own understanding.
"""

import jax, jax.numpy as jnp
import numpy as np

Z, N, KNB, De, Dv = 2, 2048, 32, 128, 128
D_IN = 2 * De + 2 * Dv  # 512


def _gather_nodes(V, K):
    z, n, dv = V.shape
    k = K.shape[2]
    Vi = jnp.broadcast_to(V[:, :, None, :], (z, n, k, dv))
    Ki = jnp.broadcast_to(K[:, :, :, None], (z, n, k, dv))
    Vj = jnp.take_along_axis(Vi, Ki, axis=1)
    return Vi, Vj


def _gather_seq(S, K):
    z, n, k = K.shape
    de = S.shape[2]
    Se = jnp.broadcast_to(S[:, :, None, :], (z, n, k, de))
    Ke = jnp.broadcast_to(K[:, :, :, None], (z, n, k, de))
    return jnp.take_along_axis(Se, Ke, axis=1)


def _ln(x, g, b):
    m = x.mean(-1, keepdims=True)
    v = x.var(-1, keepdims=True)
    return (x - m) / jnp.sqrt(v + 1e-5) * g + b


def setup_inputs(seed: int = 0):
    key = jax.random.key(seed)
    ks = jax.random.split(key, 20)
    inp = {}
    inp['V_new'] = jax.random.normal(ks[0], (Z, N, Dv), dtype=jnp.float32)
    inp['V_old'] = jax.random.normal(ks[1], (Z, N, Dv), dtype=jnp.float32)
    inp['E'] = jax.random.normal(ks[2], (Z, N, KNB, De), dtype=jnp.float32)
    inp['K'] = jax.random.randint(ks[3], (Z, N, KNB), 0, N).astype(jnp.int64)
    inp['S'] = jax.random.normal(ks[4], (Z, N, De), dtype=jnp.float32)
    inp['edge_mask'] = jnp.ones((Z, N, KNB), dtype=jnp.float32)
    inp['autoregressive_mask'] = jax.random.randint(ks[5], (Z, N, KNB), 0, 2).astype(bool)
    # node_messenger MLP: d_in=512 -> 128 (gelu) -> 128 (gelu, 1 hidden layer) -> 128
    inp['W0'] = jax.random.normal(ks[6], (D_IN, Dv), dtype=jnp.float32) / np.sqrt(D_IN)
    inp['b0'] = jnp.zeros((Dv,), dtype=jnp.float32)
    inp['W1'] = jax.random.normal(ks[7], (Dv, Dv), dtype=jnp.float32) / np.sqrt(Dv)
    inp['b1'] = jnp.zeros((Dv,), dtype=jnp.float32)
    inp['W2'] = jax.random.normal(ks[8], (Dv, Dv), dtype=jnp.float32) / np.sqrt(Dv)
    inp['b2'] = jnp.zeros((Dv,), dtype=jnp.float32)
    # ffn MLP: 128 -> 512 (gelu) -> 128
    inp['F0'] = jax.random.normal(ks[9], (Dv, 4 * Dv), dtype=jnp.float32) / np.sqrt(Dv)
    inp['fb0'] = jnp.zeros((4 * Dv,), dtype=jnp.float32)
    inp['F1'] = jax.random.normal(ks[10], (4 * Dv, Dv), dtype=jnp.float32) / np.sqrt(4 * Dv)
    inp['fb1'] = jnp.zeros((Dv,), dtype=jnp.float32)
    # layernorms
    inp['g1'] = jnp.ones((Dv,), dtype=jnp.float32)
    inp['be1'] = jnp.zeros((Dv,), dtype=jnp.float32)
    inp['g2'] = jnp.ones((Dv,), dtype=jnp.float32)
    inp['be2'] = jnp.zeros((Dv,), dtype=jnp.float32)
    return inp


def reference(V_new, V_old, E, K, S, edge_mask, autoregressive_mask,
              W0, b0, W1, b1, W2, b2, F0, fb0, F1, fb1, g1, be1, g2, be2):
    ar = autoregressive_mask
    Es = _gather_seq(S, K) * ar[:, :, :, None]
    Ecat = jnp.concatenate([E, Es], axis=3)
    Vi, Vj_new = _gather_nodes(V_new, K)
    _, Vj_old = _gather_nodes(V_old, K)
    Vj = jnp.where(ar[:, :, :, None], Vj_new, Vj_old)
    Mv_pre = jnp.concatenate([Vi, Vj, Ecat], axis=3)
    h = jax.nn.gelu(Mv_pre @ W0 + b0, approximate=False)
    h = jax.nn.gelu(h @ W1 + b1, approximate=False)
    Mv = (h @ W2 + b2) * edge_mask[:, :, :, None]
    V = _ln(V_new + Mv.sum(axis=2), g1, be1)
    ff = jax.nn.gelu(V @ F0 + fb0, approximate=False) @ F1 + fb1
    V = _ln(V + ff, g2, be2)
    return V

if __name__ == "__main__":
    import jax
    _d = setup_inputs()
    print(jax.jit(kernel)(*tuple(_d.values())))

</pallas_src>

<mosaic_0001>
#map = affine_map<(d0, d1) -> (0, 0)>
module attributes {stable_mosaic.version = 14 : i64} {
  func.func @k(%arg0: i32, %arg1: i32, %arg2: memref<8192x128xf32, #tpu.memory_space<hbm>>, %arg3: memref<1024x128xi32, #tpu.memory_space<hbm>>, %arg4: memref<131072x128xf32, #tpu.memory_space<hbm>>, %arg5: memref<32x128xi32, #tpu.memory_space<vmem>>, %arg6: memref<2x128x128xf32, #tpu.memory_space<vmem>>, %arg7: memref<8192x128xf32, #tpu.memory_space<vmem_shared>>, %arg8: memref<!tpu.dma_semaphore, #tpu.memory_space<semaphore_mem>>, %arg9: memref<!tpu.dma_semaphore, #tpu.memory_space<semaphore_mem>>) attributes {dimension_semantics = [#tpu.dimension_semantics<core_parallel>, #tpu.dimension_semantics<subcore_parallel>], iteration_bounds = array<i64: 2, 16>, scalar_prefetch = 0 : i64, scratch_operands = 5 : i64, tpu.core_type = #tpu.core_type<sc_vector_subcore>, window_params = [{transform_indices = #map}, {transform_indices = #map}, {transform_indices = #map}]} {
    %mul3A = arith.constant 2 : i32
    %mul3A_0 = arith.muli %arg1, %mul3A : i32
    %add3A = arith.addi %mul3A_0, %arg0 : i32
    %mul3A_1 = arith.constant 4096 : i32
    %mul3A_2 = arith.muli %add3A, %mul3A_1 : i32
    %eq3A = arith.constant 0 : i32
    %eq3A_3 = arith.cmpi eq, %arg1, %eq3A : i32
    %convert_element_type3A = arith.extui %eq3A_3 : i1 to i32
    %cond3A = arith.constant 0 : i32
    %cond3A_4 = arith.cmpi ne, %convert_element_type3A, %cond3A : i32
    scf.if %cond3A_4 {
      "tpu.region"() ({
        %run_scoped3A = tpu.sem_alloc : memref<!tpu.dma_semaphore, #tpu.memory_space<semaphore_mem>>
        tpu.enqueue_dma source(%arg2 : memref<8192x128xf32, #tpu.memory_space<hbm>>) target(%arg7 : memref<8192x128xf32, #tpu.memory_space<vmem_shared>>) target_semaphore(%run_scoped3A : memref<!tpu.dma_semaphore, #tpu.memory_space<semaphore_mem>>)
        tpu.wait_dma2 semaphore(%run_scoped3A : memref<!tpu.dma_semaphore, #tpu.memory_space<semaphore_mem>>) src(%arg2 : memref<8192x128xf32, #tpu.memory_space<hbm>>) dst(%arg7 : memref<8192x128xf32, #tpu.memory_space<vmem_shared>>)
        tpu.yield
      }) : () -> ()
    } else {
    }
    %barrier3A = arith.constant 0 : index
    tpu.barrier barrier_id(%barrier3A)
    %mul3A_5 = arith.constant 32 : i32
    %mul3A_6 = arith.muli %add3A, %mul3A_5 : i32
    "tpu.region"() ({
      %run_scoped3A = tpu.sem_alloc : memref<!tpu.dma_semaphore, #tpu.memory_space<semaphore_mem>>
      %dma_start3A_48 = arith.constant 0 : i32
      %dma_start3A_49 = tpu.memref_slice %arg3[%mul3A_6, %dma_start3A_48] : memref<1024x128xi32, #tpu.memory_space<hbm>> -> memref<32x128xi32, #tpu.memory_space<hbm>>
      %dma_start3A_50 = arith.constant 0 : i32
      %dma_start3A_51 = tpu.memref_slice %arg3[%mul3A_6, %dma_start3A_50] : memref<1024x128xi32, #tpu.memory_space<hbm>> -> memref<32x128xi32, #tpu.memory_space<hbm>>
      tpu.enqueue_dma source(%dma_start3A_51 : memref<32x128xi32, #tpu.memory_space<hbm>>) target(%arg5 : memref<32x128xi32, #tpu.memory_space<vmem>>) target_semaphore(%run_scoped3A : memref<!tpu.dma_semaphore, #tpu.memory_space<semaphore_mem>>)
      %dma_wait3A_52 = arith.constant 0 : i32
      %dma_wait3A_53 = tpu.memref_slice %arg3[%mul3A_6, %dma_wait3A_52] : memref<1024x128xi32, #tpu.memory_space<hbm>> -> memref<32x128xi32, #tpu.memory_space<hbm>>
      %dma_wait3A_54 = arith.constant 0 : i32
      %dma_wait3A_55 = tpu.memref_slice %arg3[%mul3A_6, %dma_wait3A_54] : memref<1024x128xi32, #tpu.memory_space<hbm>> -> memref<32x128xi32, #tpu.memory_space<hbm>>
      tpu.wait_dma2 semaphore(%run_scoped3A : memref<!tpu.dma_semaphore, #tpu.memory_space<semaphore_mem>>) src(%dma_wait3A_55 : memref<32x128xi32, #tpu.memory_space<hbm>>) dst(%arg5 : memref<32x128xi32, #tpu.memory_space<vmem>>)
      tpu.yield
    }) : () -> ()
    %dma_start3A = arith.constant 0 : i32
    %dma_start3A_7 = arith.constant 0 : i32
    %dma_start3A_8 = arith.constant 0 : i32
    %dma_start3A_9 = arith.constant 0 : i32
    %dma_start3A_10 = tpu.memref_slice %arg6[%dma_start3A_7, %dma_start3A_8, %dma_start3A_9] : memref<2x128x128xf32, #tpu.memory_space<vmem>> -> memref<1x128x128xf32, #tpu.memory_space<vmem>>
    %dma_start3A_11 = tpu.memref_squeeze %dma_start3A_10 : memref<1x128x128xf32, #tpu.memory_space<vmem>> -> memref<128x128xf32, #tpu.memory_space<vmem>>
    %dma_start3A_12 = arith.constant 0 : i32
    %dma_start3A_13 = tpu.memref_slice %arg5[%dma_start3A, %dma_start3A_12] : memref<32x128xi32, #tpu.memory_space<vmem>> -> memref<1x128xi32, #tpu.memory_space<vmem>>
    %dma_start3A_14 = tpu.memref_squeeze %dma_start3A_13 : memref<1x128xi32, #tpu.memory_space<vmem>> -> memref<128xi32, #tpu.memory_space<vmem>>
    %dma_start3A_15 = arith.constant 0 : i32
    %dma_start3A_16 = arith.constant 0 : i32
    %dma_start3A_17 = tpu.memref_slice %arg7[%dma_start3A_15, %dma_start3A_16] : memref<8192x128xf32, #tpu.memory_space<vmem_shared>> -> memref<8192x128xf32, #tpu.memory_space<vmem_shared>>
    tpu.enqueue_indirect_dma source(%dma_start3A_17 : memref<8192x128xf32, #tpu.memory_space<vmem_shared>>) target(%dma_start3A_11 : memref<128x128xf32, #tpu.memory_space<vmem>>) offsets(%dma_start3A_14 : memref<128xi32, #tpu.memory_space<vmem>>) semaphore(%arg8 : memref<!tpu.dma_semaphore, #tpu.memory_space<semaphore_mem>>)
    %scan3A = arith.constant 0 : i32
    %scan3A_18 = arith.constant 0 : i32
    %scan3A_19 = arith.constant 32 : i32
    %scan3A_20 = arith.addi %scan3A_18, %scan3A_19 : i32
    %scan3A_21 = arith.constant 1 : i32
    scf.for %scan3A_48 = %scan3A_18 to %scan3A_20 step %scan3A_21  : i32 {
      %rem3A = arith.constant 2 : i32
      %rem3A_49 = arith.remsi %scan3A_48, %rem3A : i32
      %dma_wait3A_50 = arith.constant 0 : i32
      %dma_wait3A_51 = arith.constant 0 : i32
      %dma_wait3A_52 = tpu.memref_slice %arg6[%rem3A_49, %dma_wait3A_50, %dma_wait3A_51] : memref<2x128x128xf32, #tpu.memory_space<vmem>> -> memref<1x128x128xf32, #tpu.memory_space<vmem>>
      %dma_wait3A_53 = tpu.memref_squeeze %dma_wait3A_52 : memref<1x128x128xf32, #tpu.memory_space<vmem>> -> memref<128x128xf32, #tpu.memory_space<vmem>>
      %dma_wait3A_54 = arith.constant 0 : i32
      %dma_wait3A_55 = tpu.memref_slice %arg5[%scan3A_48, %dma_wait3A_54] : memref<32x128xi32, #tpu.memory_space<vmem>> -> memref<1x128xi32, #tpu.memory_space<vmem>>
      %dma_wait3A_56 = tpu.memref_squeeze %dma_wait3A_55 : memref<1x128xi32, #tpu.memory_space<vmem>> -> memref<128xi32, #tpu.memory_space<vmem>>
      %dma_wait3A_57 = arith.constant 0 : i32
      %dma_wait3A_58 = arith.constant 0 : i32
      %dma_wait3A_59 = tpu.memref_slice %arg7[%dma_wait3A_57, %dma_wait3A_58] : memref<8192x128xf32, #tpu.memory_space<vmem_shared>> -> memref<8192x128xf32, #tpu.memory_space<vmem_shared>>
      tpu.wait_indirect_dma semaphore(%arg8 : memref<!tpu.dma_semaphore, #tpu.memory_space<semaphore_mem>>) src(%dma_wait3A_59 : memref<8192x128xf32, #tpu.memory_space<vmem_shared>>) dst(%dma_wait3A_53 : memref<128x128xf32, #tpu.memory_space<vmem>>)
      %add3A_60 = arith.constant 1 : i32
      %add3A_61 = arith.addi %scan3A_48, %add3A_60 : i32
      %lt3A = arith.constant 32 : i32
      %lt3A_62 = arith.cmpi slt, %add3A_61, %lt3A : i32
      %convert_element_type3A_63 = arith.extui %lt3A_62 : i1 to i32
      %cond3A_64 = arith.constant 0 : i32
      %cond3A_65 = arith.cmpi ne, %convert_element_type3A_63, %cond3A_64 : i32
      scf.if %cond3A_65 {
        %ge3A = arith.constant 1 : i32
        %ge3A_81 = arith.cmpi sge, %scan3A_48, %ge3A : i32
        %convert_element_type3A_82 = arith.extui %ge3A_81 : i1 to i32
        %cond3A_83 = arith.constant 0 : i32
        %cond3A_84 = arith.cmpi ne, %convert_element_type3A_82, %cond3A_83 : i32
        scf.if %cond3A_84 {
          %sub3A_98 = arith.constant 1 : i32
          %sub3A_99 = arith.subi %sub3A_98, %rem3A_49 : i32
          %sub3A_100 = arith.constant 1 : i32
          %sub3A_101 = arith.subi %scan3A_48, %sub3A_100 : i32
          %mul3A_102 = arith.constant 128 : i32
          %mul3A_103 = arith.muli %sub3A_101, %mul3A_102 : i32
          %add3A_104 = arith.addi %mul3A_2, %mul3A_103 : i32
          %dma_wait3A_105 = arith.constant 0 : i32
          %dma_wait3A_106 = arith.constant 0 : i32
          %dma_wait3A_107 = tpu.memref_slice %arg6[%sub3A_99, %dma_wait3A_105, %dma_wait3A_106] : memref<2x128x128xf32, #tpu.memory_space<vmem>> -> memref<1x128x128xf32, #tpu.memory_space<vmem>>
          %dma_wait3A_108 = tpu.memref_squeeze %dma_wait3A_107 : memref<1x128x128xf32, #tpu.memory_space<vmem>> -> memref<128x128xf32, #tpu.memory_space<vmem>>
          %dma_wait3A_109 = arith.constant 0 : i32
          %dma_wait3A_110 = tpu.memref_slice %arg4[%add3A_104, %dma_wait3A_109] : memref<131072x128xf32, #tpu.memory_space<hbm>> -> memref<128x128xf32, #tpu.memory_space<hbm>>
          %dma_wait3A_111 = arith.constant 0 : i32
          %dma_wait3A_112 = tpu.memref_slice %arg4[%add3A_104, %dma_wait3A_111] : memref<131072x128xf32, #tpu.memory_space<hbm>> -> memref<128x128xf32, #tpu.memory_space<hbm>>
          %dma_wait3A_113 = arith.constant 0 : i32
          %dma_wait3A_114 = arith.constant 0 : i32
          %dma_wait3A_115 = tpu.memref_slice %arg6[%sub3A_99, %dma_wait3A_113, %dma_wait3A_114] : memref<2x128x128xf32, #tpu.memory_space<vmem>> -> memref<1x128x128xf32, #tpu.memory_space<vmem>>
          %dma_wait3A_116 = tpu.memref_squeeze %dma_wait3A_115 : memref<1x128x128xf32, #tpu.memory_space<vmem>> -> memref<128x128xf32, #tpu.memory_space<vmem>>
          tpu.wait_dma2 semaphore(%arg9 : memref<!tpu.dma_semaphore, #tpu.memory_space<semaphore_mem>>) src(%dma_wait3A_116 : memref<128x128xf32, #tpu.memory_space<vmem>>) dst(%dma_wait3A_112 : memref<128x128xf32, #tpu.memory_space<hbm>>)
        } else {
        }
        %add3A_85 = arith.constant 1 : i32
        %add3A_86 = arith.addi %scan3A_48, %add3A_85 : i32
        %sub3A = arith.constant 1 : i32
        %sub3A_87 = arith.subi %sub3A, %rem3A_49 : i32
        %dma_start3A_88 = arith.constant 0 : i32
        %dma_start3A_89 = arith.constant 0 : i32
        %dma_start3A_90 = tpu.memref_slice %arg6[%sub3A_87, %dma_start3A_88, %dma_start3A_89] : memref<2x128x128xf32, #tpu.memory_space<vmem>> -> memref<1x128x128xf32, #tpu.memory_space<vmem>>
        %dma_start3A_91 = tpu.memref_squeeze %dma_start3A_90 : memref<1x128x128xf32, #tpu.memory_space<vmem>> -> memref<128x128xf32, #tpu.memory_space<vmem>>
        %dma_start3A_92 = arith.constant 0 : i32
        %dma_start3A_93 = tpu.memref_slice %arg5[%add3A_86, %dma_start3A_92] : memref<32x128xi32, #tpu.memory_space<vmem>> -> memref<1x128xi32, #tpu.memory_space<vmem>>
        %dma_start3A_94 = tpu.memref_squeeze %dma_start3A_93 : memref<1x128xi32, #tpu.memory_space<vmem>> -> memref<128xi32, #tpu.memory_space<vmem>>
        %dma_start3A_95 = arith.constant 0 : i32
        %dma_start3A_96 = arith.constant 0 : i32
        %dma_start3A_97 = tpu.memref_slice %arg7[%dma_start3A_95, %dma_start3A_96] : memref<8192x128xf32, #tpu.memory_space<vmem_shared>> -> memref<8192x128xf32, #tpu.memory_space<vmem_shared>>
        tpu.enqueue_indirect_dma source(%dma_start3A_97 : memref<8192x128xf32, #tpu.memory_space<vmem_shared>>) target(%dma_start3A_91 : memref<128x128xf32, #tpu.memory_space<vmem>>) offsets(%dma_start3A_94 : memref<128xi32, #tpu.memory_space<vmem>>) semaphore(%arg8 : memref<!tpu.dma_semaphore, #tpu.memory_space<semaphore_mem>>)
      } else {
      }
      %mul3A_66 = arith.constant 128 : i32
      %mul3A_67 = arith.muli %scan3A_48, %mul3A_66 : i32
      %add3A_68 = arith.addi %mul3A_2, %mul3A_67 : i32
      %dma_start3A_69 = arith.constant 0 : i32
      %dma_start3A_70 = arith.constant 0 : i32
      %dma_start3A_71 = tpu.memref_slice %arg6[%rem3A_49, %dma_start3A_69, %dma_start3A_70] : memref<2x128x128xf32, #tpu.memory_space<vmem>> -> memref<1x128x128xf32, #tpu.memory_space<vmem>>
      %dma_start3A_72 = tpu.memref_squeeze %dma_start3A_71 : memref<1x128x128xf32, #tpu.memory_space<vmem>> -> memref<128x128xf32, #tpu.memory_space<vmem>>
      %dma_start3A_73 = arith.constant 0 : i32
      %dma_start3A_74 = tpu.memref_slice %arg4[%add3A_68, %dma_start3A_73] : memref<131072x128xf32, #tpu.memory_space<hbm>> -> memref<128x128xf32, #tpu.memory_space<hbm>>
      %dma_start3A_75 = arith.constant 0 : i32
      %dma_start3A_76 = tpu.memref_slice %arg4[%add3A_68, %dma_start3A_75] : memref<131072x128xf32, #tpu.memory_space<hbm>> -> memref<128x128xf32, #tpu.memory_space<hbm>>
      %dma_start3A_77 = arith.constant 0 : i32
      %dma_start3A_78 = arith.constant 0 : i32
      %dma_start3A_79 = tpu.memref_slice %arg6[%rem3A_49, %dma_start3A_77, %dma_start3A_78] : memref<2x128x128xf32, #tpu.memory_space<vmem>> -> memref<1x128x128xf32, #tpu.memory_space<vmem>>
      %dma_start3A_80 = tpu.memref_squeeze %dma_start3A_79 : memref<1x128x128xf32, #tpu.memory_space<vmem>> -> memref<128x128xf32, #tpu.memory_space<vmem>>
      tpu.enqueue_dma source(%dma_start3A_80 : memref<128x128xf32, #tpu.memory_space<vmem>>) target(%dma_start3A_76 : memref<128x128xf32, #tpu.memory_space<hbm>>) target_semaphore(%arg9 : memref<!tpu.dma_semaphore, #tpu.memory_space<semaphore_mem>>)
    }
    %scan3A_22 = arith.constant 32 : i32
    %dma_wait3A = arith.constant 0 : i32
    %dma_wait3A_23 = arith.constant 0 : i32
    %dma_wait3A_24 = arith.constant 0 : i32
    %dma_wait3A_25 = tpu.memref_slice %arg6[%dma_wait3A, %dma_wait3A_23, %dma_wait3A_24] : memref<2x128x128xf32, #tpu.memory_space<vmem>> -> memref<1x128x128xf32, #tpu.memory_space<vmem>>
    %dma_wait3A_26 = tpu.memref_squeeze %dma_wait3A_25 : memref<1x128x128xf32, #tpu.memory_space<vmem>> -> memref<128x128xf32, #tpu.memory_space<vmem>>
    %dma_wait3A_27 = arith.constant 0 : i32
    %dma_wait3A_28 = tpu.memref_slice %arg4[%mul3A_2, %dma_wait3A_27] : memref<131072x128xf32, #tpu.memory_space<hbm>> -> memref<128x128xf32, #tpu.memory_space<hbm>>
    %dma_wait3A_29 = arith.constant 0 : i32
    %dma_wait3A_30 = tpu.memref_slice %arg4[%mul3A_2, %dma_wait3A_29] : memref<131072x128xf32, #tpu.memory_space<hbm>> -> memref<128x128xf32, #tpu.memory_space<hbm>>
    %dma_wait3A_31 = arith.constant 0 : i32
    %dma_wait3A_32 = arith.constant 0 : i32
    %dma_wait3A_33 = tpu.memref_slice %arg6[%dma_wait3A, %dma_wait3A_31, %dma_wait3A_32] : memref<2x128x128xf32, #tpu.memory_space<vmem>> -> memref<1x128x128xf32, #tpu.memory_space<vmem>>
    %dma_wait3A_34 = tpu.memref_squeeze %dma_wait3A_33 : memref<1x128x128xf32, #tpu.memory_space<vmem>> -> memref<128x128xf32, #tpu.memory_space<vmem>>
    tpu.wait_dma2 semaphore(%arg9 : memref<!tpu.dma_semaphore, #tpu.memory_space<semaphore_mem>>) src(%dma_wait3A_34 : memref<128x128xf32, #tpu.memory_space<vmem>>) dst(%dma_wait3A_30 : memref<128x128xf32, #tpu.memory_space<hbm>>)
    %dma_wait3A_35 = arith.constant 0 : i32
    %dma_wait3A_36 = arith.constant 0 : i32
    %dma_wait3A_37 = arith.constant 0 : i32
    %dma_wait3A_38 = tpu.memref_slice %arg6[%dma_wait3A_35, %dma_wait3A_36, %dma_wait3A_37] : memref<2x128x128xf32, #tpu.memory_space<vmem>> -> memref<1x128x128xf32, #tpu.memory_space<vmem>>
    %dma_wait3A_39 = tpu.memref_squeeze %dma_wait3A_38 : memref<1x128x128xf32, #tpu.memory_space<vmem>> -> memref<128x128xf32, #tpu.memory_space<vmem>>
    %dma_wait3A_40 = arith.constant 0 : i32
    %dma_wait3A_41 = tpu.memref_slice %arg4[%mul3A_2, %dma_wait3A_40] : memref<131072x128xf32, #tpu.memory_space<hbm>> -> memref<128x128xf32, #tpu.memory_space<hbm>>
    %dma_wait3A_42 = arith.constant 0 : i32
    %dma_wait3A_43 = tpu.memref_slice %arg4[%mul3A_2, %dma_wait3A_42] : memref<131072x128xf32, #tpu.memory_space<hbm>> -> memref<128x128xf32, #tpu.memory_space<hbm>>
    %dma_wait3A_44 = arith.constant 0 : i32
    %dma_wait3A_45 = arith.constant 0 : i32
    %dma_wait3A_46 = tpu.memref_slice %arg6[%dma_wait3A_35, %dma_wait3A_44, %dma_wait3A_45] : memref<2x128x128xf32, #tpu.memory_space<vmem>> -> memref<1x128x128xf32, #tpu.memory_space<vmem>>
    %dma_wait3A_47 = tpu.memref_squeeze %dma_wait3A_46 : memref<1x128x128xf32, #tpu.memory_space<vmem>> -> memref<128x128xf32, #tpu.memory_space<vmem>>
    tpu.wait_dma2 semaphore(%arg9 : memref<!tpu.dma_semaphore, #tpu.memory_space<semaphore_mem>>) src(%dma_wait3A_47 : memref<128x128xf32, #tpu.memory_space<vmem>>) dst(%dma_wait3A_43 : memref<128x128xf32, #tpu.memory_space<hbm>>)
    return
  }
}

module attributes {stable_mosaic.version = 14 : i64} {
  func.func @_tables_body(%arg0: memref<2x2048x128xf32, #tpu.memory_space<vmem>>, %arg1: memref<2x2048x128xf32, #tpu.memory_space<vmem>>, %arg2: memref<2x2048x128xf32, #tpu.memory_space<vmem>>, %arg3: memref<2x2048x32xi32, #tpu.memory_space<vmem>>, %arg4: memref<2x2048x32xi32, #tpu.memory_space<vmem>>, %arg5: memref<512x128xf32, #tpu.memory_space<vmem>>, %arg6: memref<8192x128xf32, #tpu.memory_space<vmem>>, %arg7: memref<4096x128xf32, #tpu.memory_space<vmem>>, %arg8: memref<2x2048x32xi32, #tpu.memory_space<vmem>>) attributes {dimension_semantics = [], scalar_prefetch = 0 : i64, scratch_operands = 0 : i64, tpu.core_type = #tpu.core_type<tc>} {
    %get3A = arith.constant 0 : index
    %get3A_0 = arith.constant 0 : index
    %get3A_1 = vector.load %arg5[%get3A, %get3A_0] : memref<512x128xf32, #tpu.memory_space<vmem>>, vector<128x128xf32>
    %get3A_2 = arith.constant 128 : index
    %get3A_3 = arith.constant 0 : index
    %get3A_4 = vector.load %arg5[%get3A_2, %get3A_3] : memref<512x128xf32, #tpu.memory_space<vmem>>, vector<128x128xf32>
    %get3A_5 = arith.constant 384 : index
    %get3A_6 = arith.constant 0 : index
    %get3A_7 = vector.load %arg5[%get3A_5, %get3A_6] : memref<512x128xf32, #tpu.memory_space<vmem>>, vector<128x128xf32>
    %get3A_8 = arith.constant 0 : index
    %get3A_9 = arith.constant 0 : index
    %get3A_10 = arith.constant 0 : index
    %get3A_11 = vector.load %arg0[%get3A_8, %get3A_9, %get3A_10] : memref<2x2048x128xf32, #tpu.memory_space<vmem>>, vector<1x2048x128xf32>
    %get3A_12 = vector.shape_cast %get3A_11 : vector<1x2048x128xf32> to vector<2048x128xf32>
    %get3A_13 = arith.constant 0 : index
    %get3A_14 = arith.constant 0 : index
    %get3A_15 = arith.constant 0 : index
    %get3A_16 = vector.load %arg1[%get3A_13, %get3A_14, %get3A_15] : memref<2x2048x128xf32, #tpu.memory_space<vmem>>, vector<1x2048x128xf32>
    %get3A_17 = vector.shape_cast %get3A_16 : vector<1x2048x128xf32> to vector<2048x128xf32>
    %get3A_18 = arith.constant 0 : index
    %get3A_19 = arith.constant 0 : index
    %get3A_20 = arith.constant 0 : index
    %get3A_21 = vector.load %arg2[%get3A_18, %get3A_19, %get3A_20] : memref<2x2048x128xf32, #tpu.memory_space<vmem>>, vector<1x2048x128xf32>
    %get3A_22 = vector.shape_cast %get3A_21 : vector<1x2048x128xf32> to vector<2048x128xf32>
    %dot_general3A = arith.constant dense<0.000000e+00> : vector<2048x128xf32>
    %dot_general3A_23 = tpu.matmul %get3A_17, %get3A_4, %dot_general3A {dimension_numbers = #tpu.dot_dimension_numbers<[1], [0], [0], [1], [0, 0, 1, 1], [], []>, transpose_lhs_hint = false} : vector<2048x128xf32>, vector<128x128xf32>, vector<2048x128xf32> -> vector<2048x128xf32>
    %swap3A = arith.constant 0 : index
    %swap3A_24 = arith.constant 0 : index
    %swap3A_25 = vector.load %arg6[%swap3A, %swap3A_24] : memref<8192x128xf32, #tpu.memory_space<vmem>>, vector<2048x128xf32>
    tpu.vector_store %arg6[%swap3A, %swap3A_24], %dot_general3A_23 {strides = array<i32>} : memref<8192x128xf32, #tpu.memory_space<vmem>>, vector<2048x128xf32>,
    %dot_general3A_26 = arith.constant dense<0.000000e+00> : vector<2048x128xf32>
    %dot_general3A_27 = tpu.matmul %get3A_12, %get3A_4, %dot_general3A_26 {dimension_numbers = #tpu.dot_dimension_numbers<[1], [0], [0], [1], [0, 0, 1, 1], [], []>, transpose_lhs_hint = false} : vector<2048x128xf32>, vector<128x128xf32>, vector<2048x128xf32> -> vector<2048x128xf32>
    %dot_general3A_28 = arith.constant dense<0.000000e+00> : vector<2048x128xf32>
    %dot_general3A_29 = tpu.matmul %get3A_22, %get3A_7, %dot_general3A_28 {dimension_numbers = #tpu.dot_dimension_numbers<[1], [0], [0], [1], [0, 0, 1, 1], [], []>, transpose_lhs_hint = false} : vector<2048x128xf32>, vector<128x128xf32>, vector<2048x128xf32> -> vector<2048x128xf32>
    %add3A = arith.addf %dot_general3A_27, %dot_general3A_29 : vector<2048x128xf32>
    %swap3A_30 = arith.constant 4096 : index
    %swap3A_31 = arith.constant 0 : index
    %swap3A_32 = vector.load %arg6[%swap3A_30, %swap3A_31] : memref<8192x128xf32, #tpu.memory_space<vmem>>, vector<2048x128xf32>
    tpu.vector_store %arg6[%swap3A_30, %swap3A_31], %add3A {strides = array<i32>} : memref<8192x128xf32, #tpu.memory_space<vmem>>, vector<2048x128xf32>,
    %dot_general3A_33 = arith.constant dense<0.000000e+00> : vector<2048x128xf32>
    %dot_general3A_34 = tpu.matmul %get3A_12, %get3A_1, %dot_general3A_33 {dimension_numbers = #tpu.dot_dimension_numbers<[1], [0], [0], [1], [0, 0, 1, 1], [], []>, transpose_lhs_hint = false} : vector<2048x128xf32>, vector<128x128xf32>, vector<2048x128xf32> -> vector<2048x128xf32>
    %swap3A_35 = arith.constant 0 : index
    %swap3A_36 = arith.constant 0 : index
    %swap3A_37 = vector.load %arg7[%swap3A_35, %swap3A_36] : memref<4096x128xf32, #tpu.memory_space<vmem>>, vector<2048x128xf32>
    tpu.vector_store %arg7[%swap3A_35, %swap3A_36], %dot_general3A_34 {strides = array<i32>} : memref<4096x128xf32, #tpu.memory_space<vmem>>, vector<2048x128xf32>,
    %get3A_38 = arith.constant 0 : index
    %get3A_39 = arith.constant 0 : index
    %get3A_40 = arith.constant 0 : index
    %get3A_41 = vector.load %arg3[%get3A_38, %get3A_39, %get3A_40] : memref<2x2048x32xi32, #tpu.memory_space<vmem>>, vector<1x2048x32xi32>
    %get3A_42 = vector.shape_cast %get3A_41 : vector<1x2048x32xi32> to vector<2048x32xi32>
    %add3A_43 = arith.constant 0 : i32
    %add3A_44 = vector.broadcast %add3A_43 : i32 to vector<2048x32xi32>
    %add3A_45 = arith.addi %get3A_42, %add3A_44 : vector<2048x32xi32>
    %get3A_46 = arith.constant 0 : index
    %get3A_47 = arith.constant 0 : index
    %get3A_48 = arith.constant 0 : index
    %get3A_49 = vector.load %arg4[%get3A_46, %get3A_47, %get3A_48] : memref<2x2048x32xi32, #tpu.memory_space<vmem>>, vector<1x2048x32xi32>
    %get3A_50 = vector.shape_cast %get3A_49 : vector<1x2048x32xi32> to vector<2048x32xi32>
    %mul3A = arith.constant 4096 : i32
    %mul3A_51 = vector.broadcast %mul3A : i32 to vector<2048x32xi32>
    %mul3A_52 = arith.muli %get3A_50, %mul3A_51 : vector<2048x32xi32>
    %add3A_53 = arith.addi %add3A_45, %mul3A_52 : vector<2048x32xi32>
    %swap3A_54 = arith.constant 0 : index
    %swap3A_55 = arith.constant 0 : index
    %swap3A_56 = arith.constant 0 : index
    %swap3A_57 = vector.load %arg8[%swap3A_54, %swap3A_55, %swap3A_56] : memref<2x2048x32xi32, #tpu.memory_space<vmem>>, vector<1x2048x32xi32>
    %swap3A_58 = vector.shape_cast %swap3A_57 : vector<1x2048x32xi32> to vector<2048x32xi32>
    %swap3A_59 = vector.shape_cast %add3A_53 : vector<2048x32xi32> to vector<1x2048x32xi32>
    tpu.vector_store %arg8[%swap3A_54, %swap3A_55, %swap3A_56], %swap3A_59 {strides = array<i32>} : memref<2x2048x32xi32, #tpu.memory_space<vmem>>, vector<1x2048x32xi32>,
    %get3A_60 = arith.constant 1 : index
    %get3A_61 = arith.constant 0 : index
    %get3A_62 = arith.constant 0 : index
    %get3A_63 = vector.load %arg0[%get3A_60, %get3A_61, %get3A_62] : memref<2x2048x128xf32, #tpu.memory_space<vmem>>, vector<1x2048x128xf32>
    %get3A_64 = vector.shape_cast %get3A_63 : vector<1x2048x128xf32> to vector<2048x128xf32>
    %get3A_65 = arith.constant 1 : index
    %get3A_66 = arith.constant 0 : index
    %get3A_67 = arith.constant 0 : index
    %get3A_68 = vector.load %arg1[%get3A_65, %get3A_66, %get3A_67] : memref<2x2048x128xf32, #tpu.memory_space<vmem>>, vector<1x2048x128xf32>
    %get3A_69 = vector.shape_cast %get3A_68 : vector<1x2048x128xf32> to vector<2048x128xf32>
    %get3A_70 = arith.constant 1 : index
    %get3A_71 = arith.constant 0 : index
    %get3A_72 = arith.constant 0 : index
    %get3A_73 = vector.load %arg2[%get3A_70, %get3A_71, %get3A_72] : memref<2x2048x128xf32, #tpu.memory_space<vmem>>, vector<1x2048x128xf32>
    %get3A_74 = vector.shape_cast %get3A_73 : vector<1x2048x128xf32> to vector<2048x128xf32>
    %dot_general3A_75 = arith.constant dense<0.000000e+00> : vector<2048x128xf32>
    %dot_general3A_76 = tpu.matmul %get3A_69, %get3A_4, %dot_general3A_75 {dimension_numbers = #tpu.dot_dimension_numbers<[1], [0], [0], [1], [0, 0, 1, 1], [], []>, transpose_lhs_hint = false} : vector<2048x128xf32>, vector<128x128xf32>, vector<2048x128xf32> -> vector<2048x128xf32>
    %swap3A_77 = arith.constant 2048 : index
    %swap3A_78 = arith.constant 0 : index
    %swap3A_79 = vector.load %arg6[%swap3A_77, %swap3A_78] : memref<8192x128xf32, #tpu.memory_space<vmem>>, vector<2048x128xf32>
    tpu.vector_store %arg6[%swap3A_77, %swap3A_78], %dot_general3A_76 {strides = array<i32>} : memref<8192x128xf32, #tpu.memory_space<vmem>>, vector<2048x128xf32>,
    %dot_general3A_80 = arith.constant dense<0.000000e+00> : vector<2048x128xf32>
    %dot_general3A_81 = tpu.matmul %get3A_64, %get3A_4, %dot_general3A_80 {dimension_numbers = #tpu.dot_dimension_numbers<[1], [0], [0], [1], [0, 0, 1, 1], [], []>, transpose_lhs_hint = false} : vector<2048x128xf32>, vector<128x128xf32>, vector<2048x128xf32> -> vector<2048x128xf32>
    %dot_general3A_82 = arith.constant dense<0.000000e+00> : vector<2048x128xf32>
    %dot_general3A_83 = tpu.matmul %get3A_74, %get3A_7, %dot_general3A_82 {dimension_numbers = #tpu.dot_dimension_numbers<[1], [0], [0], [1], [0, 0, 1, 1], [], []>, transpose_lhs_hint = false} : vector<2048x128xf32>, vector<128x128xf32>, vector<2048x128xf32> -> vector<2048x128xf32>
    %add3A_84 = arith.addf %dot_general3A_81, %dot_general3A_83 : vector<2048x128xf32>
    %swap3A_85 = arith.constant 6144 : index
    %swap3A_86 = arith.constant 0 : index
    %swap3A_87 = vector.load %arg6[%swap3A_85, %swap3A_86] : memref<8192x128xf32, #tpu.memory_space<vmem>>, vector<2048x128xf32>
    tpu.vector_store %arg6[%swap3A_85, %swap3A_86], %add3A_84 {strides = array<i32>} : memref<8192x128xf32, #tpu.memory_space<vmem>>, vector<2048x128xf32>,
    %dot_general3A_88 = arith.constant dense<0.000000e+00> : vector<2048x128xf32>
    %dot_general3A_89 = tpu.matmul %get3A_64, %get3A_1, %dot_general3A_88 {dimension_numbers = #tpu.dot_dimension_numbers<[1], [0], [0], [1], [0, 0, 1, 1], [], []>, transpose_lhs_hint = false} : vector<2048x128xf32>, vector<128x128xf32>, vector<2048x128xf32> -> vector<2048x128xf32>
    %swap3A_90 = arith.constant 2048 : index
    %swap3A_91 = arith.constant 0 : index
    %swap3A_92 = vector.load %arg7[%swap3A_90, %swap3A_91] : memref<4096x128xf32, #tpu.memory_space<vmem>>, vector<2048x128xf32>
    tpu.vector_store %arg7[%swap3A_90, %swap3A_91], %dot_general3A_89 {strides = array<i32>} : memref<4096x128xf32, #tpu.memory_space<vmem>>, vector<2048x128xf32>,
    %get3A_93 = arith.constant 1 : index
    %get3A_94 = arith.constant 0 : index
    %get3A_95 = arith.constant 0 : index
    %get3A_96 = vector.load %arg3[%get3A_93, %get3A_94, %get3A_95] : memref<2x2048x32xi32, #tpu.memory_space<vmem>>, vector<1x2048x32xi32>
    %get3A_97 = vector.shape_cast %get3A_96 : vector<1x2048x32xi32> to vector<2048x32xi32>
    %add3A_98 = arith.constant 2048 : i32
    %add3A_99 = vector.broadcast %add3A_98 : i32 to vector<2048x32xi32>
    %add3A_100 = arith.addi %get3A_97, %add3A_99 : vector<2048x32xi32>
    %get3A_101 = arith.constant 1 : index
    %get3A_102 = arith.constant 0 : index
    %get3A_103 = arith.constant 0 : index
    %get3A_104 = vector.load %arg4[%get3A_101, %get3A_102, %get3A_103] : memref<2x2048x32xi32, #tpu.memory_space<vmem>>, vector<1x2048x32xi32>
    %get3A_105 = vector.shape_cast %get3A_104 : vector<1x2048x32xi32> to vector<2048x32xi32>
    %mul3A_106 = arith.constant 4096 : i32
    %mul3A_107 = vector.broadcast %mul3A_106 : i32 to vector<2048x32xi32>
    %mul3A_108 = arith.muli %get3A_105, %mul3A_107 : vector<2048x32xi32>
    %add3A_109 = arith.addi %add3A_100, %mul3A_108 : vector<2048x32xi32>
    %swap3A_110 = arith.constant 1 : index
    %swap3A_111 = arith.constant 0 : index
    %swap3A_112 = arith.constant 0 : index
    %swap3A_113 = vector.load %arg8[%swap3A_110, %swap3A_111, %swap3A_112] : memref<2x2048x32xi32, #tpu.memory_space<vmem>>, vector<1x2048x32xi32>
    %swap3A_114 = vector.shape_cast %swap3A_113 : vector<1x2048x32xi32> to vector<2048x32xi32>
    %swap3A_115 = vector.shape_cast %add3A_109 : vector<2048x32xi32> to vector<1x2048x32xi32>
    tpu.vector_store %arg8[%swap3A_110, %swap3A_111, %swap3A_112], %swap3A_115 {strides = array<i32>} : memref<2x2048x32xi32, #tpu.memory_space<vmem>>, vector<1x2048x32xi32>,
    return
  }
}

module attributes {stable_mosaic.version = 14 : i64} {
  func.func @_main_body(%arg0: i32, %arg1: memref<8192x128xf32, #tpu.memory_space<vmem>>, %arg2: memref<8192x128xf32, #tpu.memory_space<vmem>>, %arg3: memref<256x128xf32, #tpu.memory_space<vmem>>, %arg4: memref<256x128xf32, #tpu.memory_space<vmem>>, %arg5: memref<256x32xf32, #tpu.memory_space<vmem>>, %arg6: memref<128x128xf32, #tpu.memory_space<vmem>>, %arg7: memref<1x128xf32, #tpu.memory_space<vmem>>, %arg8: memref<128x128xf32, #tpu.memory_space<vmem>>, %arg9: memref<1x128xf32, #tpu.memory_space<vmem>>, %arg10: memref<128x128xf32, #tpu.memory_space<vmem>>, %arg11: memref<1x128xf32, #tpu.memory_space<vmem>>, %arg12: memref<128x512xf32, #tpu.memory_space<vmem>>, %arg13: memref<1x512xf32, #tpu.memory_space<vmem>>, %arg14: memref<512x128xf32, #tpu.memory_space<vmem>>, %arg15: memref<1x128xf32, #tpu.memory_space<vmem>>, %arg16: memref<1x128xf32, #tpu.memory_space<vmem>>, %arg17: memref<1x128xf32, #tpu.memory_space<vmem>>, %arg18: memref<1x128xf32, #tpu.memory_space<vmem>>, %arg19: memref<1x128xf32, #tpu.memory_space<vmem>>, %arg20: memref<256x128xf32, #tpu.memory_space<vmem>>) attributes {dimension_semantics = [#tpu.dimension_semantics<arbitrary>], iteration_bounds = array<i64: 16>, scalar_prefetch = 0 : i64, scratch_operands = 0 : i64, tpu.core_type = #tpu.core_type<tc>, window_params = [{transform_indices = @transform_0, window_bounds = array<i64: 8192, 128>}, {transform_indices = @transform_1, window_bounds = array<i64: 8192, 128>}, {transform_indices = @transform_2, window_bounds = array<i64: 256, 128>}, {transform_indices = @transform_3, window_bounds = array<i64: 256, 128>}, {transform_indices = @transform_4, window_bounds = array<i64: 256, 32>}, {pipeline_mode = #tpu.pipeline_mode<synchronous>, transform_indices = @transform_5, window_bounds = array<i64: 128, 128>}, {pipeline_mode = #tpu.pipeline_mode<synchronous>, transform_indices = @transform_6, window_bounds = array<i64: 1, 128>}, {pipeline_mode = #tpu.pipeline_mode<synchronous>, transform_indices = @transform_7, window_bounds = array<i64: 128, 128>}, {pipeline_mode = #tpu.pipeline_mode<synchronous>, transform_indices = @transform_8, window_bounds = array<i64: 1, 128>}, {pipeline_mode = #tpu.pipeline_mode<synchronous>, transform_indices = @transform_9, window_bounds = array<i64: 128, 128>}, {pipeline_mode = #tpu.pipeline_mode<synchronous>, transform_indices = @transform_10, window_bounds = array<i64: 1, 128>}, {pipeline_mode = #tpu.pipeline_mode<synchronous>, transform_indices = @transform_11, window_bounds = array<i64: 128, 512>}, {pipeline_mode = #tpu.pipeline_mode<synchronous>, transform_indices = @transform_12, window_bounds = array<i64: 1, 512>}, {pipeline_mode = #tpu.pipeline_mode<synchronous>, transform_indices = @transform_13, window_bounds = array<i64: 512, 128>}, {pipeline_mode = #tpu.pipeline_mode<synchronous>, transform_indices = @transform_14, window_bounds = array<i64: 1, 128>}, {pipeline_mode = #tpu.pipeline_mode<synchronous>, transform_indices = @transform_15, window_bounds = array<i64: 1, 128>}, {pipeline_mode = #tpu.pipeline_mode<synchronous>, transform_indices = @transform_16, window_bounds = array<i64: 1, 128>}, {pipeline_mode = #tpu.pipeline_mode<synchronous>, transform_indices = @transform_17, window_bounds = array<i64: 1, 128>}, {pipeline_mode = #tpu.pipeline_mode<synchronous>, transform_indices = @transform_18, window_bounds = array<i64: 1, 128>}, {transform_indices = @transform_19, window_bounds = array<i64: 256, 128>}]} {
    %get3A = arith.constant 0 : index
    %get3A_0 = arith.constant 0 : index
    %get3A_1 = vector.load %arg1[%get3A, %get3A_0] : memref<8192x128xf32, #tpu.memory_space<vmem>>, vector<8192x128xf32>
    %get3A_2 = arith.constant 0 : index
    %get3A_3 = arith.constant 0 : index
    %get3A_4 = vector.load %arg6[%get3A_2, %get3A_3] : memref<128x128xf32, #tpu.memory_space<vmem>>, vector<128x128xf32>
    %dot_general3A = arith.constant dense<0.000000e+00> : vector<8192x128xf32>
    %dot_general3A_5 = tpu.matmul %get3A_1, %get3A_4, %dot_general3A {dimension_numbers = #tpu.dot_dimension_numbers<[1], [0], [0], [1], [0, 0, 1, 1], [], []>, transpose_lhs_hint = false} : vector<8192x128xf32>, vector<128x128xf32>, vector<8192x128xf32> -> vector<8192x128xf32>
    %get3A_6 = arith.constant 0 : index
    %get3A_7 = arith.constant 0 : index
    %get3A_8 = vector.load %arg2[%get3A_6, %get3A_7] : memref<8192x128xf32, #tpu.memory_space<vmem>>, vector<8192x128xf32>
    %add3A = arith.addf %dot_general3A_5, %get3A_8 : vector<8192x128xf32>
    %get3A_9 = arith.constant 0 : index
    %get3A_10 = arith.constant 0 : index
    %get3A_11 = vector.load %arg3[%get3A_9, %get3A_10] : memref<256x128xf32, #tpu.memory_space<vmem>>, vector<256x128xf32>
    %broadcast_in_dim3A = vector.shape_cast %get3A_11 : vector<256x128xf32> to vector<256x1x128xf32>
    %broadcast_in_dim3A_12 = vector.shape_cast %broadcast_in_dim3A : vector<256x1x128xf32> to vector<256x1x128xf32>
    %broadcast_in_dim3A_13 = vector.broadcast %broadcast_in_dim3A_12 : vector<256x1x128xf32> to vector<256x32x128xf32>
    %reshape3A = vector.shape_cast %broadcast_in_dim3A_13 : vector<256x32x128xf32> to vector<8192x128xf32>
    %add3A_14 = arith.addf %add3A, %reshape3A : vector<8192x128xf32>
    %get3A_15 = arith.constant 0 : index
    %get3A_16 = arith.constant 0 : index
    %get3A_17 = vector.load %arg7[%get3A_15, %get3A_16] : memref<1x128xf32, #tpu.memory_space<vmem>>, vector<1x128xf32>
    %get3A_18 = vector.shape_cast %get3A_17 : vector<1x128xf32> to vector<128xf32>
    %broadcast_in_dim3A_19 = vector.shape_cast %get3A_18 : vector<128xf32> to vector<1x128xf32>
    %add3A_20 = vector.broadcast %broadcast_in_dim3A_19 : vector<1x128xf32> to vector<8192x128xf32>
    %add3A_21 = arith.addf %add3A_14, %add3A_20 : vector<8192x128xf32>
    %mul3A = arith.constant 5.000000e-01 : f32
    %mul3A_22 = vector.broadcast %mul3A : f32 to vector<8192x128xf32>
    %mul3A_23 = arith.mulf %add3A_21, %mul3A_22 : vector<8192x128xf32>
    %mul3A_24 = arith.constant 0.707106769 : f32
    %mul3A_25 = vector.broadcast %mul3A_24 : f32 to vector<8192x128xf32>
    %mul3A_26 = arith.mulf %add3A_21, %mul3A_25 : vector<8192x128xf32>
    %erf3A = math.erf %mul3A_26 : vector<8192x128xf32>
    %add3A_27 = arith.constant 1.000000e+00 : f32
    %add3A_28 = vector.broadcast %add3A_27 : f32 to vector<8192x128xf32>
    %add3A_29 = arith.addf %add3A_28, %erf3A : vector<8192x128xf32>
    %mul3A_30 = arith.mulf %mul3A_23, %add3A_29 : vector<8192x128xf32>
    %get3A_31 = arith.constant 0 : index
    %get3A_32 = arith.constant 0 : index
    %get3A_33 = vector.load %arg8[%get3A_31, %get3A_32] : memref<128x128xf32, #tpu.memory_space<vmem>>, vector<128x128xf32>
    %dot_general3A_34 = arith.constant dense<0.000000e+00> : vector<8192x128xf32>
    %dot_general3A_35 = tpu.matmul %mul3A_30, %get3A_33, %dot_general3A_34 {dimension_numbers = #tpu.dot_dimension_numbers<[1], [0], [0], [1], [0, 0, 1, 1], [], []>, transpose_lhs_hint = false} : vector<8192x128xf32>, vector<128x128xf32>, vector<8192x128xf32> -> vector<8192x128xf32>
    %get3A_36 = arith.constant 0 : index
    %get3A_37 = arith.constant 0 : index
    %get3A_38 = vector.load %arg9[%get3A_36, %get3A_37] : memref<1x128xf32, #tpu.memory_space<vmem>>, vector<1x128xf32>
    %get3A_39 = vector.shape_cast %get3A_38 : vector<1x128xf32> to vector<128xf32>
    %broadcast_in_dim3A_40 = vector.shape_cast %get3A_39 : vector<128xf32> to vector<1x128xf32>
    %add3A_41 = vector.broadcast %broadcast_in_dim3A_40 : vector<1x128xf32> to vector<8192x128xf32>
    %add3A_42 = arith.addf %dot_general3A_35, %add3A_41 : vector<8192x128xf32>
    %mul3A_43 = arith.constant 5.000000e-01 : f32
    %mul3A_44 = vector.broadcast %mul3A_43 : f32 to vector<8192x128xf32>
    %mul3A_45 = arith.mulf %add3A_42, %mul3A_44 : vector<8192x128xf32>
    %mul3A_46 = arith.constant 0.707106769 : f32
    %mul3A_47 = vector.broadcast %mul3A_46 : f32 to vector<8192x128xf32>
    %mul3A_48 = arith.mulf %add3A_42, %mul3A_47 : vector<8192x128xf32>
    %erf3A_49 = math.erf %mul3A_48 : vector<8192x128xf32>
    %add3A_50 = arith.constant 1.000000e+00 : f32
    %add3A_51 = vector.broadcast %add3A_50 : f32 to vector<8192x128xf32>
    %add3A_52 = arith.addf %add3A_51, %erf3A_49 : vector<8192x128xf32>
    %mul3A_53 = arith.mulf %mul3A_45, %add3A_52 : vector<8192x128xf32>
    %get3A_54 = arith.constant 0 : index
    %get3A_55 = arith.constant 0 : index
    %get3A_56 = vector.load %arg10[%get3A_54, %get3A_55] : memref<128x128xf32, #tpu.memory_space<vmem>>, vector<128x128xf32>
    %dot_general3A_57 = arith.constant dense<0.000000e+00> : vector<8192x128xf32>
    %dot_general3A_58 = tpu.matmul %mul3A_53, %get3A_56, %dot_general3A_57 {dimension_numbers = #tpu.dot_dimension_numbers<[1], [0], [0], [1], [0, 0, 1, 1], [], []>, transpose_lhs_hint = false} : vector<8192x128xf32>, vector<128x128xf32>, vector<8192x128xf32> -> vector<8192x128xf32>
    %get3A_59 = arith.constant 0 : index
    %get3A_60 = arith.constant 0 : index
    %get3A_61 = vector.load %arg11[%get3A_59, %get3A_60] : memref<1x128xf32, #tpu.memory_space<vmem>>, vector<1x128xf32>
    %get3A_62 = vector.shape_cast %get3A_61 : vector<1x128xf32> to vector<128xf32>
    %broadcast_in_dim3A_63 = vector.shape_cast %get3A_62 : vector<128xf32> to vector<1x128xf32>
    %add3A_64 = vector.broadcast %broadcast_in_dim3A_63 : vector<1x128xf32> to vector<8192x128xf32>
    %add3A_65 = arith.addf %dot_general3A_58, %add3A_64 : vector<8192x128xf32>
    %get3A_66 = arith.constant 0 : index
    %get3A_67 = arith.constant 0 : index
    %get3A_68 = vector.load %arg5[%get3A_66, %get3A_67] : memref<256x32xf32, #tpu.memory_space<vmem>>, vector<256x32xf32>
    %broadcast_in_dim3A_69 = vector.shape_cast %get3A_68 : vector<256x32xf32> to vector<256x32x1xf32>
    %broadcast_in_dim3A_70 = vector.shape_cast %broadcast_in_dim3A_69 : vector<256x32x1xf32> to vector<256x32x1xf32>
    %broadcast_in_dim3A_71 = vector.broadcast %broadcast_in_dim3A_70 : vector<256x32x1xf32> to vector<256x32x128xf32>
    %reshape3A_72 = vector.shape_cast %add3A_65 : vector<8192x128xf32> to vector<256x32x128xf32>
    %mul3A_73 = arith.mulf %reshape3A_72, %broadcast_in_dim3A_71 : vector<256x32x128xf32>
    %reduce_sum3A = arith.constant dense<0.000000e+00> : vector<256x128xf32>
    %reduce_sum3A_74 = vector.multi_reduction <add>, %mul3A_73, %reduce_sum3A [1] : vector<256x32x128xf32> to vector<256x128xf32>
    %get3A_75 = arith.constant 0 : index
    %get3A_76 = arith.constant 0 : index
    %get3A_77 = vector.load %arg4[%get3A_75, %get3A_76] : memref<256x128xf32, #tpu.memory_space<vmem>>, vector<256x128xf32>
    %add3A_78 = arith.addf %get3A_77, %reduce_sum3A_74 : vector<256x128xf32>
    %get3A_79 = arith.constant 0 : index
    %get3A_80 = arith.constant 0 : index
    %get3A_81 = vector.load %arg16[%get3A_79, %get3A_80] : memref<1x128xf32, #tpu.memory_space<vmem>>, vector<1x128xf32>
    %get3A_82 = vector.shape_cast %get3A_81 : vector<1x128xf32> to vector<128xf32>
    %get3A_83 = arith.constant 0 : index
    %get3A_84 = arith.constant 0 : index
    %get3A_85 = vector.load %arg17[%get3A_83, %get3A_84] : memref<1x128xf32, #tpu.memory_space<vmem>>, vector<1x128xf32>
    %get3A_86 = vector.shape_cast %get3A_85 : vector<1x128xf32> to vector<128xf32>
    %reduce_sum3A_87 = arith.constant dense<0.000000e+00> : vector<256xf32>
    %reduce_sum3A_88 = vector.multi_reduction <add>, %add3A_78, %reduce_sum3A_87 [1] : vector<256x128xf32> to vector<256xf32>
    %broadcast_in_dim3A_89 = vector.shape_cast %reduce_sum3A_88 : vector<256xf32> to vector<256x1xf32>
    %div3A = arith.constant 1.280000e+02 : f32
    %div3A_90 = vector.broadcast %div3A : f32 to vector<256x1xf32>
    %div3A_91 = arith.divf %broadcast_in_dim3A_89, %div3A_90 : vector<256x1xf32>
    %jit3A = arith.constant 0 : i32
    %reduce_sum3A_92 = arith.constant dense<0.000000e+00> : vector<256xf32>
    %reduce_sum3A_93 = vector.multi_reduction <add>, %add3A_78, %reduce_sum3A_92 [1] : vector<256x128xf32> to vector<256xf32>
    %broadcast_in_dim3A_94 = vector.shape_cast %reduce_sum3A_93 : vector<256xf32> to vector<256x1xf32>
    %div3A_95 = arith.constant 1.280000e+02 : f32
    %div3A_96 = vector.broadcast %div3A_95 : f32 to vector<256x1xf32>
    %div3A_97 = arith.divf %broadcast_in_dim3A_94, %div3A_96 : vector<256x1xf32>
    %sub3A = vector.broadcast %div3A_97 : vector<256x1xf32> to vector<256x128xf32>
    %sub3A_98 = arith.subf %add3A_78, %sub3A : vector<256x128xf32>
    %square3A = arith.mulf %sub3A_98, %sub3A_98 : vector<256x128xf32>
    %convert_element_type3A = arith.sitofp %jit3A : i32 to f32
    %sub3A_99 = arith.constant 1.280000e+02 : f32
    %sub3A_100 = arith.subf %sub3A_99, %convert_element_type3A : f32
    %reduce_sum3A_101 = arith.constant dense<0.000000e+00> : vector<256xf32>
    %reduce_sum3A_102 = vector.multi_reduction <add>, %square3A, %reduce_sum3A_101 [1] : vector<256x128xf32> to vector<256xf32>
    %broadcast_in_dim3A_103 = vector.shape_cast %reduce_sum3A_102 : vector<256xf32> to vector<256x1xf32>
    %div3A_104 = vector.broadcast %sub3A_100 : f32 to vector<256x1xf32>
    %div3A_105 = arith.divf %broadcast_in_dim3A_103, %div3A_104 : vector<256x1xf32>
    %gt3A = arith.constant 0.000000e+00 : f32
    %gt3A_106 = arith.cmpf ogt, %sub3A_100, %gt3A : f32
    %jit3A_107 = arith.constant 0x7FC00000 : f32
    %broadcast_in_dim3A_108 = vector.broadcast %jit3A_107 : f32 to vector<256x1xf32>
    %select_n3A = arith.select %gt3A_106, %div3A_105, %broadcast_in_dim3A_108 : vector<256x1xf32>
    %sub3A_109 = vector.broadcast %div3A_91 : vector<256x1xf32> to vector<256x128xf32>
    %sub3A_110 = arith.subf %add3A_78, %sub3A_109 : vector<256x128xf32>
    %add3A_111 = arith.constant 9.99999974E-6 : f32
    %add3A_112 = vector.broadcast %add3A_111 : f32 to vector<256x1xf32>
    %add3A_113 = arith.addf %select_n3A, %add3A_112 : vector<256x1xf32>
    %sqrt3A = math.sqrt %add3A_113 : vector<256x1xf32>
    %div3A_114 = vector.broadcast %sqrt3A : vector<256x1xf32> to vector<256x128xf32>
    %div3A_115 = arith.divf %sub3A_110, %div3A_114 : vector<256x128xf32>
    %broadcast_in_dim3A_116 = vector.shape_cast %get3A_82 : vector<128xf32> to vector<1x128xf32>
    %mul3A_117 = vector.broadcast %broadcast_in_dim3A_116 : vector<1x128xf32> to vector<256x128xf32>
    %mul3A_118 = arith.mulf %div3A_115, %mul3A_117 : vector<256x128xf32>
    %broadcast_in_dim3A_119 = vector.shape_cast %get3A_86 : vector<128xf32> to vector<1x128xf32>
    %add3A_120 = vector.broadcast %broadcast_in_dim3A_119 : vector<1x128xf32> to vector<256x128xf32>
    %add3A_121 = arith.addf %mul3A_118, %add3A_120 : vector<256x128xf32>
    %get3A_122 = arith.constant 0 : index
    %get3A_123 = arith.constant 0 : index
    %get3A_124 = vector.load %arg12[%get3A_122, %get3A_123] : memref<128x512xf32, #tpu.memory_space<vmem>>, vector<128x512xf32>
    %dot_general3A_125 = arith.constant dense<0.000000e+00> : vector<256x512xf32>
    %dot_general3A_126 = tpu.matmul %add3A_121, %get3A_124, %dot_general3A_125 {dimension_numbers = #tpu.dot_dimension_numbers<[1], [0], [0], [1], [0, 0, 1, 1], [], []>, transpose_lhs_hint = false} : vector<256x128xf32>, vector<128x512xf32>, vector<256x512xf32> -> vector<256x512xf32>
    %get3A_127 = arith.constant 0 : index
    %get3A_128 = arith.constant 0 : index
    %get3A_129 = vector.load %arg13[%get3A_127, %get3A_128] : memref<1x512xf32, #tpu.memory_space<vmem>>, vector<1x512xf32>
    %get3A_130 = vector.shape_cast %get3A_129 : vector<1x512xf32> to vector<512xf32>
    %broadcast_in_dim3A_131 = vector.shape_cast %get3A_130 : vector<512xf32> to vector<1x512xf32>
    %add3A_132 = vector.broadcast %broadcast_in_dim3A_131 : vector<1x512xf32> to vector<256x512xf32>
    %add3A_133 = arith.addf %dot_general3A_126, %add3A_132 : vector<256x512xf32>
    %mul3A_134 = arith.constant 5.000000e-01 : f32
    %mul3A_135 = vector.broadcast %mul3A_134 : f32 to vector<256x512xf32>
    %mul3A_136 = arith.mulf %add3A_133, %mul3A_135 : vector<256x512xf32>
    %mul3A_137 = arith.constant 0.707106769 : f32
    %mul3A_138 = vector.broadcast %mul3A_137 : f32 to vector<256x512xf32>
    %mul3A_139 = arith.mulf %add3A_133, %mul3A_138 : vector<256x512xf32>
    %erf3A_140 = math.erf %mul3A_139 : vector<256x512xf32>
    %add3A_141 = arith.constant 1.000000e+00 : f32
    %add3A_142 = vector.broadcast %add3A_141 : f32 to vector<256x512xf32>
    %add3A_143 = arith.addf %add3A_142, %erf3A_140 : vector<256x512xf32>
    %mul3A_144 = arith.mulf %mul3A_136, %add3A_143 : vector<256x512xf32>
    %get3A_145 = arith.constant 0 : index
    %get3A_146 = arith.constant 0 : index
    %get3A_147 = vector.load %arg14[%get3A_145, %get3A_146] : memref<512x128xf32, #tpu.memory_space<vmem>>, vector<512x128xf32>
    %dot_general3A_148 = arith.constant dense<0.000000e+00> : vector<256x128xf32>
    %dot_general3A_149 = tpu.matmul %mul3A_144, %get3A_147, %dot_general3A_148 {dimension_numbers = #tpu.dot_dimension_numbers<[1], [0], [0], [1], [0, 0, 1, 1], [], []>, transpose_lhs_hint = false} : vector<256x512xf32>, vector<512x128xf32>, vector<256x128xf32> -> vector<256x128xf32>
    %get3A_150 = arith.constant 0 : index
    %get3A_151 = arith.constant 0 : index
    %get3A_152 = vector.load %arg15[%get3A_150, %get3A_151] : memref<1x128xf32, #tpu.memory_space<vmem>>, vector<1x128xf32>
    %get3A_153 = vector.shape_cast %get3A_152 : vector<1x128xf32> to vector<128xf32>
    %broadcast_in_dim3A_154 = vector.shape_cast %get3A_153 : vector<128xf32> to vector<1x128xf32>
    %add3A_155 = vector.broadcast %broadcast_in_dim3A_154 : vector<1x128xf32> to vector<256x128xf32>
    %add3A_156 = arith.addf %dot_general3A_149, %add3A_155 : vector<256x128xf32>
    %add3A_157 = arith.addf %add3A_121, %add3A_156 : vector<256x128xf32>
    %get3A_158 = arith.constant 0 : index
    %get3A_159 = arith.constant 0 : index
    %get3A_160 = vector.load %arg18[%get3A_158, %get3A_159] : memref<1x128xf32, #tpu.memory_space<vmem>>, vector<1x128xf32>
    %get3A_161 = vector.shape_cast %get3A_160 : vector<1x128xf32> to vector<128xf32>
    %get3A_162 = arith.constant 0 : index
    %get3A_163 = arith.constant 0 : index
    %get3A_164 = vector.load %arg19[%get3A_162, %get3A_163] : memref<1x128xf32, #tpu.memory_space<vmem>>, vector<1x128xf32>
    %get3A_165 = vector.shape_cast %get3A_164 : vector<1x128xf32> to vector<128xf32>
    %reduce_sum3A_166 = arith.constant dense<0.000000e+00> : vector<256xf32>
    %reduce_sum3A_167 = vector.multi_reduction <add>, %add3A_157, %reduce_sum3A_166 [1] : vector<256x128xf32> to vector<256xf32>
    %broadcast_in_dim3A_168 = vector.shape_cast %reduce_sum3A_167 : vector<256xf32> to vector<256x1xf32>
    %div3A_169 = arith.constant 1.280000e+02 : f32
    %div3A_170 = vector.broadcast %div3A_169 : f32 to vector<256x1xf32>
    %div3A_171 = arith.divf %broadcast_in_dim3A_168, %div3A_170 : vector<256x1xf32>
    %jit3A_172 = arith.constant 0 : i32
    %reduce_sum3A_173 = arith.constant dense<0.000000e+00> : vector<256xf32>
    %reduce_sum3A_174 = vector.multi_reduction <add>, %add3A_157, %reduce_sum3A_173 [1] : vector<256x128xf32> to vector<256xf32>
    %broadcast_in_dim3A_175 = vector.shape_cast %reduce_sum3A_174 : vector<256xf32> to vector<256x1xf32>
    %div3A_176 = arith.constant 1.280000e+02 : f32
    %div3A_177 = vector.broadcast %div3A_176 : f32 to vector<256x1xf32>
    %div3A_178 = arith.divf %broadcast_in_dim3A_175, %div3A_177 : vector<256x1xf32>
    %sub3A_179 = vector.broadcast %div3A_178 : vector<256x1xf32> to vector<256x128xf32>
    %sub3A_180 = arith.subf %add3A_157, %sub3A_179 : vector<256x128xf32>
    %square3A_181 = arith.mulf %sub3A_180, %sub3A_180 : vector<256x128xf32>
    %convert_element_type3A_182 = arith.sitofp %jit3A_172 : i32 to f32
    %sub3A_183 = arith.constant 1.280000e+02 : f32
    %sub3A_184 = arith.subf %sub3A_183, %convert_element_type3A_182 : f32
    %reduce_sum3A_185 = arith.constant dense<0.000000e+00> : vector<256xf32>
    %reduce_sum3A_186 = vector.multi_reduction <add>, %square3A_181, %reduce_sum3A_185 [1] : vector<256x128xf32> to vector<256xf32>
    %broadcast_in_dim3A_187 = vector.shape_cast %reduce_sum3A_186 : vector<256xf32> to vector<256x1xf32>
    %div3A_188 = vector.broadcast %sub3A_184 : f32 to vector<256x1xf32>
    %div3A_189 = arith.divf %broadcast_in_dim3A_187, %div3A_188 : vector<256x1xf32>
    %gt3A_190 = arith.constant 0.000000e+00 : f32
    %gt3A_191 = arith.cmpf ogt, %sub3A_184, %gt3A_190 : f32
    %jit3A_192 = arith.constant 0x7FC00000 : f32
    %broadcast_in_dim3A_193 = vector.broadcast %jit3A_192 : f32 to vector<256x1xf32>
    %select_n3A_194 = arith.select %gt3A_191, %div3A_189, %broadcast_in_dim3A_193 : vector<256x1xf32>
    %sub3A_195 = vector.broadcast %div3A_171 : vector<256x1xf32> to vector<256x128xf32>
    %sub3A_196 = arith.subf %add3A_157, %sub3A_195 : vector<256x128xf32>
    %add3A_197 = arith.constant 9.99999974E-6 : f32
    %add3A_198 = vector.broadcast %add3A_197 : f32 to vector<256x1xf32>
    %add3A_199 = arith.addf %select_n3A_194, %add3A_198 : vector<256x1xf32>
    %sqrt3A_200 = math.sqrt %add3A_199 : vector<256x1xf32>
    %div3A_201 = vector.broadcast %sqrt3A_200 : vector<256x1xf32> to vector<256x128xf32>
    %div3A_202 = arith.divf %sub3A_196, %div3A_201 : vector<256x128xf32>
    %broadcast_in_dim3A_203 = vector.shape_cast %get3A_161 : vector<128xf32> to vector<1x128xf32>
    %mul3A_204 = vector.broadcast %broadcast_in_dim3A_203 : vector<1x128xf32> to vector<256x128xf32>
    %mul3A_205 = arith.mulf %div3A_202, %mul3A_204 : vector<256x128xf32>
    %broadcast_in_dim3A_206 = vector.shape_cast %get3A_165 : vector<128xf32> to vector<1x128xf32>
    %add3A_207 = vector.broadcast %broadcast_in_dim3A_206 : vector<1x128xf32> to vector<256x128xf32>
    %add3A_208 = arith.addf %mul3A_205, %add3A_207 : vector<256x128xf32>
    %swap3A = arith.constant 0 : index
    %swap3A_209 = arith.constant 0 : index
    %swap3A_210 = vector.load %arg20[%swap3A, %swap3A_209] : memref<256x128xf32, #tpu.memory_space<vmem>>, vector<256x128xf32>
    tpu.vector_store %arg20[%swap3A, %swap3A_209], %add3A_208 {strides = array<i32>} : memref<256x128xf32, #tpu.memory_space<vmem>>, vector<256x128xf32>,
    return
  }
  func.func @transform_0(%arg0: i32) -> (i32, i32) {
    %c0_i32 = arith.constant 0 : i32
    %c0_i32_0 = arith.constant 0 : i32
    return %arg0, %c0_i32 : i32, i32
  }
  func.func @transform_1(%arg0: i32) -> (i32, i32) {
    %c0_i32 = arith.constant 0 : i32
    %c0_i32_0 = arith.constant 0 : i32
    return %arg0, %c0_i32 : i32, i32
  }
  func.func @transform_2(%arg0: i32) -> (i32, i32) {
    %c0_i32 = arith.constant 0 : i32
    %c0_i32_0 = arith.constant 0 : i32
    return %arg0, %c0_i32 : i32, i32
  }
  func.func @transform_3(%arg0: i32) -> (i32, i32) {
    %c0_i32 = arith.constant 0 : i32
    %c0_i32_0 = arith.constant 0 : i32
    return %arg0, %c0_i32 : i32, i32
  }
  func.func @transform_4(%arg0: i32) -> (i32, i32) {
    %c0_i32 = arith.constant 0 : i32
    %c0_i32_0 = arith.constant 0 : i32
    return %arg0, %c0_i32 : i32, i32
  }
  func.func @transform_5(%arg0: i32) -> (i32, i32) {
    %c0_i32 = arith.constant 0 : i32
    %c0_i32_0 = arith.constant 0 : i32
    %c0_i32_1 = arith.constant 0 : i32
    return %c0_i32, %c0_i32_0 : i32, i32
  }
  func.func @transform_6(%arg0: i32) -> (i32, i32) {
    %c0_i32 = arith.constant 0 : i32
    %c0_i32_0 = arith.constant 0 : i32
    %c0_i32_1 = arith.constant 0 : i32
    return %c0_i32, %c0_i32_0 : i32, i32
  }
  func.func @transform_7(%arg0: i32) -> (i32, i32) {
    %c0_i32 = arith.constant 0 : i32
    %c0_i32_0 = arith.constant 0 : i32
    %c0_i32_1 = arith.constant 0 : i32
    return %c0_i32, %c0_i32_0 : i32, i32
  }
  func.func @transform_8(%arg0: i32) -> (i32, i32) {
    %c0_i32 = arith.constant 0 : i32
    %c0_i32_0 = arith.constant 0 : i32
    %c0_i32_1 = arith.constant 0 : i32
    return %c0_i32, %c0_i32_0 : i32, i32
  }
  func.func @transform_9(%arg0: i32) -> (i32, i32) {
    %c0_i32 = arith.constant 0 : i32
    %c0_i32_0 = arith.constant 0 : i32
    %c0_i32_1 = arith.constant 0 : i32
    return %c0_i32, %c0_i32_0 : i32, i32
  }
  func.func @transform_10(%arg0: i32) -> (i32, i32) {
    %c0_i32 = arith.constant 0 : i32
    %c0_i32_0 = arith.constant 0 : i32
    %c0_i32_1 = arith.constant 0 : i32
    return %c0_i32, %c0_i32_0 : i32, i32
  }
  func.func @transform_11(%arg0: i32) -> (i32, i32) {
    %c0_i32 = arith.constant 0 : i32
    %c0_i32_0 = arith.constant 0 : i32
    %c0_i32_1 = arith.constant 0 : i32
    return %c0_i32, %c0_i32_0 : i32, i32
  }
  func.func @transform_12(%arg0: i32) -> (i32, i32) {
    %c0_i32 = arith.constant 0 : i32
    %c0_i32_0 = arith.constant 0 : i32
    %c0_i32_1 = arith.constant 0 : i32
    return %c0_i32, %c0_i32_0 : i32, i32
  }
  func.func @transform_13(%arg0: i32) -> (i32, i32) {
    %c0_i32 = arith.constant 0 : i32
    %c0_i32_0 = arith.constant 0 : i32
    %c0_i32_1 = arith.constant 0 : i32
    return %c0_i32, %c0_i32_0 : i32, i32
  }
  func.func @transform_14(%arg0: i32) -> (i32, i32) {
    %c0_i32 = arith.constant 0 : i32
    %c0_i32_0 = arith.constant 0 : i32
    %c0_i32_1 = arith.constant 0 : i32
    return %c0_i32, %c0_i32_0 : i32, i32
  }
  func.func @transform_15(%arg0: i32) -> (i32, i32) {
    %c0_i32 = arith.constant 0 : i32
    %c0_i32_0 = arith.constant 0 : i32
    %c0_i32_1 = arith.constant 0 : i32
    return %c0_i32, %c0_i32_0 : i32, i32
  }
  func.func @transform_16(%arg0: i32) -> (i32, i32) {
    %c0_i32 = arith.constant 0 : i32
    %c0_i32_0 = arith.constant 0 : i32
    %c0_i32_1 = arith.constant 0 : i32
    return %c0_i32, %c0_i32_0 : i32, i32
  }
  func.func @transform_17(%arg0: i32) -> (i32, i32) {
    %c0_i32 = arith.constant 0 : i32
    %c0_i32_0 = arith.constant 0 : i32
    %c0_i32_1 = arith.constant 0 : i32
    return %c0_i32, %c0_i32_0 : i32, i32
  }
  func.func @transform_18(%arg0: i32) -> (i32, i32) {
    %c0_i32 = arith.constant 0 : i32
    %c0_i32_0 = arith.constant 0 : i32
    %c0_i32_1 = arith.constant 0 : i32
    return %c0_i32, %c0_i32_0 : i32, i32
  }
  func.func @transform_19(%arg0: i32) -> (i32, i32) {
    %c0_i32 = arith.constant 0 : i32
    %c0_i32_0 = arith.constant 0 : i32
    return %arg0, %c0_i32 : i32, i32
  }
}

</mosaic_0001>

<sc_bundles>
// kernel: kernel.5.cloned.1.call-start
scs
__scs_entry_jumppad:
0x0: {  	(pc) =	sbr.rel $0x88, $3  }
0x1: {  	(tag) =	ssettag $0x0;
	lr =	simm.s32 $0x1  }
0x2: {  	[smem:$0x3F8C] =	sst lr;
	_ =	strace $0xD0000000  }
0x3: {  	_ = 	snop  }
0x4: {  	_ = 	snop  }
0x5: {  	_ = 	snop  }
0x6: {  	_ = 	snop  }
0x7: {  	_ = 	snop  }
__scs_overlays_trampoline_lowered:
0x8: {  	[smem:$0x3F9B] =	sst s0  }
0x9: {  	[smem:$0x3F9C] =	sst s1  }
0xa: {  	[smem:$0x3F9D] =	sst s2  }
0xb: {  	[smem:$0x3F9E] =	sst s3  }
0xc: {  	[smem:$0x3F9F] =	sst s4  }
0xd: {  	[smem:$0x3FA0] =	sst s5  }
0xe: {  	[smem:$0x3FA1] =	sst s6  }
0xf: {  	[smem:$0x3FA2] =	sst s7  }
0x10: {  	[smem:$0x3FA3] =	sst s8  }
0x11: {  	[smem:$0x3FA4] =	sst s9;
	s0 =	simm.s32 @!p0 $0x0  }
0x12: {  	s1 =	sld [smem:$0x3F8A];
	s0 =	simm.s32 @p0 $0x1  }
0x13: {  	[smem:$0x3FA5] =	sst s0;
	s0 =	simm.s32 @!p1 $0x0  }
0x14: {  	s2 =	sld [smem:$0x3F89];
	s0 =	simm.s32 @p1 $0x1  }
0x15: {  	[smem:$0x3FA6] =	sst s0;
	s0 =	simm.s32 @!p2 $0x0  }
0x16: {  	s3 =	sld [smem:$0x3FDB];
	s0 =	simm.s32 @p2 $0x1  }
0x17: {  	s4 =	simm.s32 $0x1BF5;
	[smem:$0x3FA8] =	sst s0  }
0x18: {  	s0 =	sld [smem:$0x3F8B];
	_ =	swait.ge [sflag:s4], $0x0  }
0x19: {  	s7 =	sld [smem:$0x3F8C]  }
0x1a: {  	s8 =	sadd.s32 $0xFFFFE003, lr  }
0x1b: {  	s9 =	sadd.s32 $0xFFFFFEF7, lr;
	s5 =	simm.s32 $0xFFFFFFFF;
	p2 =	slt.u32 s8, $0xFFFFF086  }
0x1c: {  	p1 =	slt.u32 s9, $0xF7A;
	s5 =	simm.s32 @!p2 $0x0  }
0x1d: {  	s5 =	simm.s32 @p1 $0x1;
	p0 =	seq.s32 s7, s2  }
0x1e: {  	s7 =	smul.u32 @!p0 $0xF7A, s2;
	p2 =	seq.s32 @!p0 s5, $0x0  }
0x1f: {  	s9 =	smul.u32 $0xF7A, s1;
	s8 =	simm.s32 @!p0 $0x1BF5;
	p2 =	por !p2, p0  }
0x20: {  	[sflag:s8] =	ssyncset.s32 @!p0 $0xFFFFF086;
	s6 =	sadd.s32 @!p0 s3, s7;
	s7 =	simm.s32 @!p0 $0x108  }
0x21: {  	s3 =	sadd.s32 s3, s9;
	s6 =	sadd.s32 @!p0 $0x88, s6;
	s7 =	simm.s32 @p2 $0x1082  }
0x22: {  	[simem:s7], [sflag:s8] =	dma.local @!p0 [hbm:s6], $0xF7A  }
0x23: {  	s9 =	sor.u32 $0xD0000000, s2;
	s6 =	simm.s32 $0x108;
	_ =	swait.ge @!p0 [sflag:s8], $0x0  }
0x24: {  	s3 =	sadd.s32 $0x88, s3;
	s6 =	simm.s32 @!p1 $0x1082;
	[sflag:s4] =	ssyncset.s32 $0xFFFFF086  }
0x25: {  	[simem:s6], [sflag:s4] =	dma.local [hbm:s3], $0xF7A  }
0x26: {  	[smem:$0x3F8C] =	sst s1;
	(tag) =	ssettag s2;
	_ =	strace s9  }
0x27: {  	s1 =	sld [smem:$0x3F9C]  }
0x28: {  	s2 =	sld [smem:$0x3F9D]  }
0x29: {  	s4 =	sld [smem:$0x3F9F]  }
0x2a: {  	p0 =	seq.s32 s5, $0x0;
	s5 =	sld [smem:$0x3FA0]  }
0x2b: {  	s6 =	sld [smem:$0x3FA1]  }
0x2c: {  	s7 =	sld [smem:$0x3FA2]  }
0x2d: {  	s3 =	simm.s32 $0x108;
	s8 =	sld [smem:$0x3FA3]  }
0x2e: {  	s3 =	simm.s32 @!p0 $0x1082;
	s9 =	sld [smem:$0x3FA4]  }
0x2f: {  	lr =	sadd.s32 s0, s3;
	s0 =	sld [smem:$0x3F9B]  }
0x30: {  	s3 =	sld [smem:$0x3F9E]  }
0x31: {  	[smem:$0x3FA7] =	sst s10  }
0x32: {  	s10 =	sld [smem:$0x3FA5];
	_ =	sdelay $0x3  }
0x33: {  	p0 =	seq.s32 s10, $0x1;
	s10 =	sld [smem:$0x3FA7];
	_ =	sdelay $0x3  }
0x34: {  	[smem:$0x3FA7] =	sst s10  }
0x35: {  	s10 =	sld [smem:$0x3FA6];
	_ =	sdelay $0x3  }
0x36: {  	p1 =	seq.s32 s10, $0x1;
	s10 =	sld [smem:$0x3FA7];
	_ =	sdelay $0x3  }
0x37: {  	[smem:$0x3FA7] =	sst s10  }
0x38: {  	s10 =	sld [smem:$0x3FA8]  }
0x39: {  	_ = 	snop;
	(pc) =	sbr.ind lr, $3  }
0x3a: {  	_ = 	snop  }
0x3b: {  	_ = 	snop  }
0x3c: {  	p2 =	seq.s32 s10, $0x1;
	s10 =	sld [smem:$0x3FA7]  }
0x3d: {  	_ =	shalt  }
0x3e: {  	_ =	shalt  }
0x3f: {  	_ =	shalt  }
0x40: {  	_ =	shalt  }
0x41: {  	_ =	shalt  }
0x42: {  	_ =	shalt  }
0x43: {  	_ =	shalt  }
0x44: {  	_ =	shalt  }
0x45: {  	_ =	shalt  }
0x46: {  	_ =	shalt  }
0x47: {  	_ =	shalt  }
0x48: {  	_ =	shalt  }
0x49: {  	_ =	shalt  }
0x4a: {  	_ =	shalt  }
0x4b: {  	_ =	shalt  }
0x4c: {  	_ =	shalt  }
0x4d: {  	_ =	shalt  }
0x4e: {  	_ =	shalt  }
0x4f: {  	_ =	shalt  }
0x50: {  	_ =	shalt  }
0x51: {  	_ =	shalt  }
0x52: {  	_ =	shalt  }
0x53: {  	_ =	shalt  }
0x54: {  	_ =	shalt  }
0x55: {  	_ =	shalt  }
0x56: {  	_ =	shalt  }
0x57: {  	_ =	shalt  }
0x58: {  	_ =	shalt  }
0x59: {  	_ =	shalt  }
0x5a: {  	_ =	shalt  }
0x5b: {  	_ =	shalt  }
0x5c: {  	_ =	shalt  }
0x5d: {  	_ =	shalt  }
0x5e: {  	_ =	shalt  }
0x5f: {  	_ =	shalt  }
0x60: {  	_ =	shalt  }
0x61: {  	_ =	shalt  }
0x62: {  	_ =	shalt  }
0x63: {  	_ =	shalt  }
0x64: {  	_ =	shalt  }
0x65: {  	_ =	shalt  }
0x66: {  	_ =	shalt  }
0x67: {  	_ =	shalt  }
0x68: {  	_ =	shalt  }
0x69: {  	_ =	shalt  }
0x6a: {  	_ =	shalt  }
0x6b: {  	_ =	shalt  }
0x6c: {  	_ =	shalt  }
0x6d: {  	_ =	shalt  }
0x6e: {  	_ =	shalt  }
0x6f: {  	_ =	shalt  }
0x70: {  	_ =	shalt  }
0x71: {  	_ =	shalt  }
0x72: {  	_ =	shalt  }
0x73: {  	_ =	shalt  }
0x74: {  	_ =	shalt  }
0x75: {  	_ =	shalt  }
0x76: {  	_ =	shalt  }
0x77: {  	_ =	shalt  }
0x78: {  	_ =	shalt  }
0x79: {  	_ =	shalt  }
0x7a: {  	_ =	shalt  }
0x7b: {  	_ =	shalt  }
0x7c: {  	_ =	shalt  }
0x7d: {  	_ =	shalt  }
0x7e: {  	_ =	shalt  }
0x7f: {  	_ =	shalt  }
0x80: {  	_ =	shalt  }
0x81: {  	_ =	shalt  }
0x82: {  	_ =	shalt  }
0x83: {  	_ =	shalt  }
0x84: {  	_ =	shalt  }
0x85: {  	_ =	shalt  }
0x86: {  	_ =	shalt  }
0x87: {  	_ =	shalt  }
.Lfunc_end0:
.L_simem_size_0:
called_computation_lowered:
.L_overlay_start_0:
0x88: {  	s2 =	sld [smem:$0x3FD9]  }
0x89: {  	s3 =	sld [smem:$0x3FFE];
	_ =	sdelay $0x1  }
0x8a: {  	s1 =	srdreg.scid  }
0x8b: {  	s0 =	sand.u32 $0x1, s1  }
0x8c: {  	s17 =	sshll.u32 s0, $0xA;
	s2 =	sadd.s32 s3, s2  }
0x8d: {  	s2 =	sadd.s32 s2, s17  }
0x8e: {  	[smem:$0x3FB3] =	sst s2  }
0x8f: {  	_ = 	snop  }
0x90: {  	s2 =	sld [smem:$0x3FD0];
	(tm) =	ssettm $0x1  }
0x91: {  	s18 =	sld [smem:$0x3FFB];
	_ =	sdelay $0x3  }
0x92: {  	_ =	strace s18  }
0x93: {  	s3 =	sld [smem:$0x3FFC];
	_ =	sdelay $0x3  }
0x94: {  	_ =	strace s3  }
0x95: {  	s3 =	sld [smem:$0x3FFD];
	_ =	sdelay $0x3  }
0x96: {  	_ =	strace s3  }
0x97: {  	_ =	strace $0x8FFFFFFF  }
0x98: {  	s19 =	sld [smem:$0x3FDB];
	_ =	sdelay $0x1  }
0x99: {  	s4 =	simm.s32 $_scs_section_size  }
0x9a: {  	s5 =	simm.s32 $_size__tile_overlayer_lowered;
	s6 =	simm.s32 $_tile_overlayer_lowered  }
0x9b: {  	s22 =	simm.s32 $0x1BFF;
	s21 =	sshll.u32 s6, $0x1;
	s3 =	sadd.s32 s4, s19  }
0x9c: {  	s7 =	simm.s32 $0x0;
	s20 =	sshll.u32 s5, $0x1;
	s5 =	sadd.s32 s21, s3  }
0x9d: {  	[timem:s7], [sflag:s22] =	dma.local [hbm:s5], s20  }
0x9e: {  	_ =	swait.ge [sflag:s22], s20  }
0x9f: {  	s4 =	ssub.s32 $0x0, s20;
	[sflag:s22] =	ssyncset.done $0x0  }
0xa0: {  	[sflag:s22] =	ssyncadd.s32 s4;
	_ =	sdelay $0x1  }
0xa1: {  	s23 =	simm.s32 $0x1B8B  }
0xa2: {  	_ =	swait.ge [sflag:s23], $0x1  }
0xa3: {  	[sflag:s23] =	ssyncset.done $0x0  }
0xa4: {  	s25 =	simm.s32 $0x1B8E;
	s24 =	sld [smem:$0x3FFE];
	[sflag:s23] =	ssyncadd.s32 $0xFFFFFFFF  }
0xa5: {  	s26 =	simm.s32 $execute0_lowered;
	[smem:$0x3FD2] =	sst s25  }
0xa6: {  	s5 =	sshll.u32 s26, $0x1;
	_ =	strace $0x80000046;
	[dreg:$0x1] =	wrdreg $0xFFFFFFFF  }
0xa7: {  	s28 =	simm.s32 $_size_execute0_lowered;
	s3 =	sadd.s32 s3, s5;
	[dreg:$0x0] =	wrdreg $0x0  }
0xa8: {  	s5 =	sshll.u32 s28, $0x1;
	[dreg:$0x2] =	wrdreg s3  }
0xa9: {  	[dreg:$0x3] =	wrdreg s5  }
0xaa: {  	[dreg:$0x4] =	wrdreg $0xC0  }
0xab: {  	_ =	task [dreg:s7], $0x5FFFF  }
0xac: {  	[dreg:$0x1] =	wrdreg $0xFFFFFFFF  }
0xad: {  	[dreg:$0x0] =	wrdreg $0x60  }
0xae: {  	[dreg:$0x2] =	wrdreg s24  }
0xaf: {  	[dreg:$0x3] =	wrdreg s2  }
0xb0: {  	[dreg:$0x4] =	wrdreg $0x90000  }
0xb1: {  	[dreg:$0x5] =	wrdreg $0x9  }
0xb2: {  	_ =	task.clear_ibuf [dreg:s7], $0x6FFFF;
	_ =	strace $0x90000046  }
0xb3: {  	s29 =	simm.s32 $0x9;
	_ =	strace $0x80000048  }
0xb4: {  	_ =	swait.ge [sflag:s29], $0x1  }
0xb5: {  	[sflag:s29] =	ssyncadd.s32 $0xFFFFFFFF  }
0xb6: {  	_ =	strace $0x90000048  }
0xb7: {  	_ =	sfence  }
0xb8: {  	s30 =	sld [smem:$0x0];
	_ =	sdelay $0x2  }
0xb9: {  	s31 =	sshll.u32 s1, $0xD;
	s1 =	sshrl.u32 s1, $0x2  }
0xba: {  	s3 =	sand.u32 $0x4000, s31;
	s1 =	sadd.s32 s1, s30  }
0xbb: {  	s0 =	sor.u32 s3, s0;
	s1 =	sshll.u32 s1, $0x11  }
0xbc: {  	s0 =	sor.u32 s1, s0  }
0xbd: {  	s0 =	sadd.s32 $0x8F2B, s0  }
0xbe: {  	[sflag:s0] =	ssyncadd.remote.s32 $0x1  }
0xbf: {  	_ =	sfence.sel $0xFFFF  }
0xc0: {  	[dreg:$0x0] =	wrdreg $0xFFFFFFFF;
	(pc) =	sbr.abs _section_cstart, $3  }
0xc1: {  	[dreg:$0x1] =	wrdreg $0xFFFFFFFF  }
0xc2: {  	_ =	task.clear_ibuf [dreg:s7], $0x2FFFF;
	_ =	strace $0x9FFFFFFF  }
0xc3: {  	(tm) =	ssettm $0x7FFFFFFF  }
tec
execute0_lowered:
.L_overlay_start_1:
0x0: {  	(tag) =	ssettag $0x1  }
0x1: {  	s4 =	rddreg [dreg:$0x0]  }
0x2: {  	s5 =	rddreg [dreg:$0x1]  }
0x3: {  	s1 =	rddreg [dreg:$0x2]  }
0x4: {  	s0 =	rddreg [dreg:$0x3];
	s2 =	simm.s32 $0x0;
	s6 =	stileid.u32  }
0x5: {  	s3 =	srdreg.scid;
	s12 =	simm.s32 $0x2;
	s13 =	simm.s32 $0x0  }
0x6: {  	[smem:$0x7FF] =	sst s2;
	s7 =	sshll.u32 s6, $0x11;
	s8 =	sand.u32 $0x1, s3  }
0x7: {  	s3 =	sadd.s32 $0x2E00, s4;
	s10 =	sshll.u32 s6, $0xA;
	p0 =	sne.s32 s6, $0x0  }
0x8: {  	_ =	strace $0x80000047;
	s7 =	sadd.s32 s7, s4;
	s30 =	ssub.s32 $0x2, s8  }
.Ltmp0:
0x9: {  	s11 =	sshll.u32 s8, $0x9;
	s8 =	sshll.u32 s8, $0x10;
	(pc) =	sbr.rel .LBB2_1-.Ltmp0, $4  }
0xa: {  	s9 =	sshrl.u32 s30, $0x1;
	s31 =	sor.u32 s11, s10;
	s7 =	sadd.s32 s8, s7  }
0xb: {  	s8 =	simm.s32 $0x3;
	s10 =	simm.s32 $0x1;
	s11 =	simm.s32 $0x80  }
0xc: {  	s9 =	ssub.s32 s30, s9;
	s4 =	sadd.s32 s5, s31;
	s6 =	sadd.s32 $0x22E00, s7  }
0xd: {  	s7 =	sshrl.u32 @!p0 s1, $0x3;
	s5 =	smax.u32 s9, $0x1;
	s9 =	simm.s32 $0x1000  }
.LBB2_7:
0xe: {  	s13 =	sadd.s32 $0x1, s13  }
0xf: {  	_ =	swait.ge [sflag:s12], $0x4000;
	p1 =	sne.s32 s13, s5  }
.Ltmp1:
0x10: {  	[sflag:s12] =	ssyncset.done $0x0;
	(pc) =	sbr.rel @!p1 .LBB2_8-.Ltmp1, $4  }
0x11: {  	[sflag:s12] =	ssyncadd.s32 $0xFFFFC000  }
0x12: {  	_ =	swait.ge [sflag:s12], $0x4000  }
0x13: {  	[sflag:s12] =	ssyncset.done $0x0  }
0x14: {  	[sflag:s12] =	ssyncadd.s32 $0xFFFFC000  }
.LBB2_1:
0x15: {  	s14 =	simm.s32 @!p0 $0x1C03  }
0x16: {  	[spmem:s7], [sflag:s14] =	dma.local @!p0 [hbm:s3], $0x20000  }
0x17: {  	s14 =	simm.s32 @!p0 $0x3  }
0x18: {  	_ =	swait.ge @!p0 [sflag:s14], $0x20000  }
0x19: {  	[sflag:s14] =	ssyncset.done @!p0 $0x0  }
0x1a: {  	[sflag:s14] =	ssyncadd.s32 @!p0 $0xFFFE0000  }
0x1b: {  	[bflag:$0x0] =	sbarrier.arrive $0xFFFF  }
0x1c: {  	[tilespmem:s2], [sflag:$0x3] =	stream.linear.gather [hbm4b:s4+s2], $0x1000, $0x38;
	[tilespmem:$0x19000] =	vst v63  }
.Ltmp2:
0x1d: {  	_ = 	snop;
	(pc) =	sbr.rel .LBB2_2-.Ltmp2, $4  }
0x1e: {  	_ =	swait.ge [sflag:s8], $0x1000  }
0x1f: {  	s15 =	smov.u32 s6;
	[sflag:s8] =	ssyncset.done $0x0  }
0x20: {  	s16 =	simm.s32 $0x0;
	s14 =	simm.s32 $0x80;
	[sflag:s8] =	ssyncadd.s32 $0xFFFFF000  }
0x21: {  	[tilespmem:s9], [sflag:$0x1] =	stream.indirect.gather [spmem:s1], $0x80, s2, s11, $0xb8;
	[tilespmem:$0x19000] =	vst v63  }
.LBB2_5:
0x22: {  	s18 =	sxor.u32 $0x5000, s17  }
0x23: {  	[tilespmem:s18], [sflag:$0x1] =	stream.indirect.gather [spmem:s1], $0x80, s14, s11, $0xb8;
	[tilespmem:$0x19000] =	vst v63  }
.LBB2_6:
0x24: {  	s16 =	sadd.s32 $0x1, s16  }
0x25: {  	p1 =	sne.s32 s16, $0x20  }
.Ltmp3:
0x26: {  	_ = 	snop;
	(pc) =	sbr.rel @!p1 .LBB2_7-.Ltmp3, $4  }
0x27: {  	_ = 	snop  }
0x28: {  	s17 =	sor.u32 $0x1000, s17  }
0x29: {  	[hbm4b:s15+s2] =	stream.linear.scatter [tilespmem:s17], [sflag:$0x2], $0x4000, $0x38;
	[tilespmem:$0x19000] =	vst v63  }
0x2a: {  	s14 =	sadd.s32 $0x80, s14;
	s15 =	sadd.s32 $0x800, s15  }
.LBB2_2:
0x2b: {  	p1 =	seq.s32 s16, $0x0  }
.Ltmp4:
0x2c: {  	_ = 	snop;
	(pc) =	sbr.rel @p1 .LBB2_5-.Ltmp4, $4  }
0x2d: {  	_ = 	snop  }
0x2e: {  	_ =	swait.ge [sflag:s10], $0x4000  }
0x2f: {  	s17 =	sand.u32 $0x1, s16;
	[sflag:s10] =	ssyncset.done $0x0  }
0x30: {  	s17 =	sshll.u32 s17, $0xE;
	[sflag:s10] =	ssyncadd.s32 $0xFFFFC000  }
0x31: {  	p1 =	seq.s32 s16, $0x1F  }
.Ltmp5:
0x32: {  	_ = 	snop;
	(pc) =	sbr.rel @p1 .LBB2_6-.Ltmp5, $1  }
0x33: {  	_ =	sdelay $0x3  }
.Ltmp6:
0x34: {  	(pc) =	sbr.rel .LBB2_5-.Ltmp6, $4  }
0x35: {  	_ = 	snop  }
0x36: {  	_ =	swait.ge [sflag:s12], $0x4000  }
0x37: {  	[sflag:s12] =	ssyncset.done $0x0  }
0x38: {  	[sflag:s12] =	ssyncadd.s32 $0xFFFFC000  }
.LBB2_8:
0x39: {  	_ =	sfence.sel $0x180000  }
0x3a: {  	[bflag:$0x0] =	sbarrier.arrive $0xFFFF  }
0x3b: {  	_ =	strace $0x90000047  }
0x3c: {  	s0 =	sadd.s32 @!p0 $0x100000, s0;
	[bflag:$0x2] =	sbarrier.arrive $0xFFFF  }
0x3d: {  	[sflag:s0] =	ssyncadd.tile.s32 @!p0 $0x1;
	_ =	shalt  }
.Lfunc_end2:
_tile_overlayer_lowered:
.L_overlay_start_2:
0x3e: {  	(tag) =	ssettag $0x2  }
0x3f: {  	s0 =	rddreg [dreg:$0x0];
	s2 =	stileid.u32  }
0x40: {  	s1 =	rddreg [dreg:$0x1];
	p0 =	sne.s32 s2, $0x0  }
0x41: {  	s3 =	rddreg [dreg:$0x2];
	[bflag:$0x3] =	sbarrier.arrive $0xFFFF;
	s2 =	simm.s32 @!p0 $0x1C03  }
0x42: {  	[timem:s3], [sflag:s2] =	dma.local @!p0 [hbm:s0], s1  }
0x43: {  	s0 =	simm.s32 @!p0 $0x3  }
0x44: {  	_ =	swait.ge @!p0 [sflag:s0], s1  }
0x45: {  	s1 =	ssub.s32 @!p0 $0x0, s1;
	[sflag:s0] =	ssyncset.done @!p0 $0x0  }
0x46: {  	[sflag:s0] =	ssyncadd.s32 @!p0 s1  }
0x47: {  	[bflag:$0x3] =	sbarrier.arrive $0xFFFF  }
0x48: {  	_ =	shalt  }

</sc_bundles>
